<compile_context>
chip_gen: v7x
topology: tpu7x:2x2x1
jax: 0.10.2.dev20260603
libtpu: 0.0.44.dev20260713+nightly
codegen_flags: <defaults>
</compile_context>

<pallas_src>
import functools
import math

import jax
import jax.numpy as jnp
from jax import lax
from jax.experimental import pallas as pl
from jax.experimental.pallas import tpu as pltpu
from jax.experimental.pallas import tpu_sc as plsc

_N = 10000
_NPAD = 10240
_E = 320000
_D = 128
_NUM_NEIGHBORS = 32.0
_SILU_NORM = 1.679177

_NC = 2
_NSUB = 16
_NW = _NC * _NSUB
_CHUNK = 128
_CPW = 80
_IGRP = 16
_EPAD = _NW * _CPW * _CHUNK
_ROWS_PER_TILE = _NPAD // _NSUB

_BE = 2048


def _mlp_body(es_ref, ea_ref, w0_ref, w1_ref, w2_ref, out_ref):
    h = jnp.dot(es_ref[...], w0_ref[...], preferred_element_type=jnp.float32)
    h = jax.nn.silu(h) * _SILU_NORM
    h = jnp.dot(h, w1_ref[...], preferred_element_type=jnp.float32)
    h = jax.nn.silu(h) * _SILU_NORM
    w = jnp.dot(h, w2_ref[...], preferred_element_type=jnp.float32)
    out_ref[...] = w * ea_ref[...]


def _lin1_body(x_ref, attr_ref, w_ref, o_ref):
    o_ref[...] = (
        jnp.dot(x_ref[...], w_ref[...], preferred_element_type=jnp.float32)
        * attr_ref[...]
    )


def _lin2_body(p_ref, attr_ref, w_ref, o_ref):
    s = p_ref[0, :_N] + p_ref[1, :_N]
    o_ref[...] = (
        jnp.dot(s, w_ref[...], preferred_element_type=jnp.float32) * attr_ref[...]
    )


def _sc_body(x_hbm, wmod_hbm, src_hbm, dst_hbm, zeros_hbm, out_hbm,
             src_v, dst_v, rows_v, wm_v, acc_sh, sem):
    c = lax.axis_index("c")
    s = lax.axis_index("s")
    wid = s * _NC + c

    pltpu.sync_copy(
        zeros_hbm.at[pl.ds(s * _ROWS_PER_TILE, _ROWS_PER_TILE)],
        acc_sh.at[pl.ds(s * _ROWS_PER_TILE, _ROWS_PER_TILE)],
    )
    plsc.subcore_barrier()

    base = wid * _CPW

    def group_body(g, carry):
        gbase = base + g * _IGRP
        pltpu.sync_copy(src_hbm.at[pl.ds(gbase, _IGRP)], src_v)
        pltpu.sync_copy(dst_hbm.at[pl.ds(gbase, _IGRP)], dst_v)

        def chunk_body(j, carry1):
            pltpu.async_copy(x_hbm.at[src_v.at[j]], rows_v, sem).wait()
            pltpu.sync_copy(
                wmod_hbm.at[pl.ds((gbase + j) * _CHUNK, _CHUNK)], wm_v)

            def mul_row(i, carry2):
                for k in range(_D // 16):
                    sl = pl.ds(k * 16, 16)
                    rows_v[i, sl] = rows_v[i, sl] * wm_v[i, sl]
                return carry2

            lax.fori_loop(0, _CHUNK, mul_row, 0, unroll=2)

            pltpu.sync_copy(rows_v, acc_sh.at[dst_v.at[j]], add=True)
            return carry1

        lax.fori_loop(0, _IGRP, chunk_body, 0)
        return carry

    lax.fori_loop(0, _CPW // _IGRP, group_body, 0)
    plsc.subcore_barrier()

    pltpu.sync_copy(
        acc_sh.at[pl.ds(s * _ROWS_PER_TILE, _ROWS_PER_TILE)],
        out_hbm.at[c, pl.ds(s * _ROWS_PER_TILE, _ROWS_PER_TILE)],
    )


_sc_scatter = pl.kernel(
    _sc_body,
    out_type=jax.ShapeDtypeStruct((_NC, _NPAD, _D), jnp.float32),
    mesh=plsc.VectorSubcoreMesh(
        core_axis_name="c", subcore_axis_name="s",
        num_cores=_NC, num_subcores=_NSUB),
    scratch_types=[
        pltpu.VMEM((_IGRP, _CHUNK), jnp.int32),
        pltpu.VMEM((_IGRP, _CHUNK), jnp.int32),
        pltpu.VMEM((_CHUNK, _D), jnp.float32),
        pltpu.VMEM((_CHUNK, _D), jnp.float32),
        pltpu.VMEM_SHARED((_NPAD, _D), jnp.float32),
        pltpu.SemaphoreType.DMA,
    ],
)


@jax.jit
def kernel(node_input, node_attr_input, node_attr_output, edge_src, edge_dst,
           edge_attr, edge_scalar_attr, W_lin1, fc_w0, fc_w1, fc_w2, W_lin2):
    w0s = fc_w0 * (1.0 / math.sqrt(fc_w0.shape[0]))
    w1s = fc_w1 * (1.0 / math.sqrt(fc_w1.shape[0]))
    w2s = fc_w2 * (1.0 / math.sqrt(fc_w2.shape[0]))
    w_lin1s = W_lin1 * (1.0 / math.sqrt(_D))
    w_lin2s = W_lin2 * (1.0 / (math.sqrt(_D) * math.sqrt(_NUM_NEIGHBORS)))

    pad = _EPAD - _E
    es_p = jnp.pad(edge_scalar_attr, ((0, pad), (0, 0)))
    ea_p = jnp.pad(edge_attr, ((0, pad), (0, 0)))
    src_p = jnp.pad(edge_src.astype(jnp.int32), (0, pad)).reshape(
        _NW * _CPW, _CHUNK)
    dst_p = jnp.pad(edge_dst.astype(jnp.int32), (0, pad)).reshape(
        _NW * _CPW, _CHUNK)
    zeros = jnp.zeros((_NPAD, _D), jnp.float32)

    wmod = pl.pallas_call(
        _mlp_body,
        grid=(_EPAD // _BE,),
        in_specs=[
            pl.BlockSpec((_BE, 16), lambda i: (i, 0)),
            pl.BlockSpec((_BE, 1), lambda i: (i, 0)),
            pl.BlockSpec((16, 64), lambda i: (0, 0)),
            pl.BlockSpec((64, 64), lambda i: (0, 0)),
            pl.BlockSpec((64, _D), lambda i: (0, 0)),
        ],
        out_specs=pl.BlockSpec((_BE, _D), lambda i: (i, 0)),
        out_shape=jax.ShapeDtypeStruct((_EPAD, _D), jnp.float32),
    )(es_p, ea_p, w0s, w1s, w2s)

    x = pl.pallas_call(
        _lin1_body,
        out_shape=jax.ShapeDtypeStruct((_N, _D), jnp.float32),
    )(node_input, node_attr_input, w_lin1s)

    parts = _sc_scatter(x, wmod, src_p, dst_p, zeros)

    return pl.pallas_call(
        _lin2_body,
        out_shape=jax.ShapeDtypeStruct((_N, _D), jnp.float32),
    )(parts, node_attr_output, w_lin2s)

# --- scband reference (transcript-rebuilt; emitter-appended) ---
"""Pipeline reference for scband-convolution-1228360646680 (READ-ONLY COPY).

The authoritative reference and input builder live on the scoring server;
editing this copy changes nothing except your own understanding.
"""

import jax, jax.numpy as jnp
import numpy as np

N = 10000
E = 320000
D = 128
NUM_EDGE_SCALAR = 16
RADIAL = 64
NUM_NEIGHBORS = 32.0
_SILU_NORM = 1.679177  # e3nn normalize2mom constant for silu under N(0,1)


def setup_inputs(seed: int = 0) -> dict:
    key = jax.random.key(seed)
    ks = jax.random.split(key, 10)
    return {
        "node_input": jax.random.normal(ks[0], (N, D), jnp.float32),
        "node_attr_input": jnp.ones((N, 1), jnp.float32),
        "node_attr_output": jnp.ones((N, 1), jnp.float32),
        "edge_src": jax.random.randint(ks[1], (E,), 0, N),
        "edge_dst": jax.random.randint(ks[2], (E,), 0, N),
        "edge_attr": jax.random.normal(ks[3], (E, 1), jnp.float32),
        "edge_scalar_attr": jax.random.uniform(ks[4], (E, NUM_EDGE_SCALAR), dtype=jnp.float32),
        "W_lin1": jax.random.normal(ks[5], (D, D), jnp.float32),
        "fc_w0": jax.random.normal(ks[6], (NUM_EDGE_SCALAR, RADIAL), jnp.float32),
        "fc_w1": jax.random.normal(ks[7], (RADIAL, RADIAL), jnp.float32),
        "fc_w2": jax.random.normal(ks[8], (RADIAL, D), jnp.float32),
        "W_lin2": jax.random.normal(ks[9], (D, D), jnp.float32),
    }


def _fc(x, w0, w1, w2):
    # e3nn FullyConnectedNet: no bias, /sqrt(fan_in) weight scaling, 2nd-moment-normalized silu
    h = jax.nn.silu(x @ (w0 / np.sqrt(w0.shape[0]))) * _SILU_NORM
    h = jax.nn.silu(h @ (w1 / np.sqrt(w1.shape[0]))) * _SILU_NORM
    return h @ (w2 / np.sqrt(w2.shape[0]))


def _fctp_scalar(x, attr, w):
    # FullyConnectedTensorProduct(mul x 0e, 1x0e, mul x 0e): out_k = sum_u w[u,k] x_u * attr / sqrt(mul_in1*mul_in2)
    return (x @ w) * attr / np.sqrt(x.shape[1] * attr.shape[1])


def reference(node_input, node_attr_input, node_attr_output, edge_src, edge_dst, edge_attr, edge_scalar_attr, W_lin1, fc_w0, fc_w1, fc_w2, W_lin2):
    # radial MLP -> per-edge tensor-product weights (tp.weight_numel = 128 for uvu with mul_v=1)
    weight = _fc(edge_scalar_attr, fc_w0, fc_w1, fc_w2)
    # lin1: FCTP(node_input, node_attr_input)
    x = _fctp_scalar(node_input, node_attr_input, W_lin1)
    # tp (uvu, external weights): for 0e x 0e -> 0e this is elementwise modulation of gathered src features
    edge_features = weight * x[edge_src] * edge_attr
    # scatter-add over destination nodes
    node_output = jax.ops.segment_sum(edge_features, edge_dst, num_segments=node_attr_output.shape[0])
    node_output = node_output / np.sqrt(NUM_NEIGHBORS)
    # lin2: FCTP(node_output, node_attr_output)
    return _fctp_scalar(node_output, node_attr_output, W_lin2)

if __name__ == "__main__":
    import jax
    _d = setup_inputs()
    print(jax.jit(kernel)(*tuple(_d.values())))

</pallas_src>

<mosaic_0001>
#map = affine_map<(d0, d1) -> (0, 0)>
#map1 = affine_map<(d0, d1) -> (0, 0, 0)>
module attributes {stable_mosaic.version = 14 : i64} {
  func.func @_sc_body(%arg0: i32, %arg1: i32, %arg2: memref<10000x128xf32, #tpu.memory_space<hbm>>, %arg3: memref<327680x128xf32, #tpu.memory_space<hbm>>, %arg4: memref<2560x128xi32, #tpu.memory_space<hbm>>, %arg5: memref<2560x128xi32, #tpu.memory_space<hbm>>, %arg6: memref<10240x128xf32, #tpu.memory_space<hbm>>, %arg7: memref<2x10240x128xf32, #tpu.memory_space<hbm>>, %arg8: memref<16x128xi32, #tpu.memory_space<vmem>>, %arg9: memref<16x128xi32, #tpu.memory_space<vmem>>, %arg10: memref<128x128xf32, #tpu.memory_space<vmem>>, %arg11: memref<128x128xf32, #tpu.memory_space<vmem>>, %arg12: memref<10240x128xf32, #tpu.memory_space<vmem_shared>>, %arg13: memref<!tpu.dma_semaphore, #tpu.memory_space<semaphore_mem>>) attributes {dimension_semantics = [#tpu.dimension_semantics<core_parallel>, #tpu.dimension_semantics<subcore_parallel>], iteration_bounds = array<i64: 2, 16>, scalar_prefetch = 0 : i64, scratch_operands = 6 : i64, tpu.core_type = #tpu.core_type<sc_vector_subcore>, window_params = [{transform_indices = #map}, {transform_indices = #map}, {transform_indices = #map}, {transform_indices = #map}, {transform_indices = #map}, {transform_indices = #map1}]} {
    %mul3A = arith.constant 2 : i32
    %mul3A_0 = arith.muli %arg1, %mul3A : i32
    %add3A = arith.addi %mul3A_0, %arg0 : i32
    %mul3A_1 = arith.constant 640 : i32
    %mul3A_2 = arith.muli %arg1, %mul3A_1 : i32
    %mul3A_3 = arith.constant 640 : i32
    %mul3A_4 = arith.muli %arg1, %mul3A_3 : i32
    "tpu.region"() ({
      %run_scoped3A = tpu.sem_alloc : memref<!tpu.dma_semaphore, #tpu.memory_space<semaphore_mem>>
      %dma_start3A = arith.constant 0 : i32
      %dma_start3A_17 = tpu.memref_slice %arg12[%mul3A_4, %dma_start3A] : memref<10240x128xf32, #tpu.memory_space<vmem_shared>> -> memref<640x128xf32, #tpu.memory_space<vmem_shared>>
      %dma_start3A_18 = arith.constant 0 : i32
      %dma_start3A_19 = tpu.memref_slice %arg6[%mul3A_2, %dma_start3A_18] : memref<10240x128xf32, #tpu.memory_space<hbm>> -> memref<640x128xf32, #tpu.memory_space<hbm>>
      tpu.enqueue_dma source(%dma_start3A_19 : memref<640x128xf32, #tpu.memory_space<hbm>>) target(%dma_start3A_17 : memref<640x128xf32, #tpu.memory_space<vmem_shared>>) target_semaphore(%run_scoped3A : memref<!tpu.dma_semaphore, #tpu.memory_space<semaphore_mem>>)
      %dma_wait3A = arith.constant 0 : i32
      %dma_wait3A_20 = tpu.memref_slice %arg12[%mul3A_4, %dma_wait3A] : memref<10240x128xf32, #tpu.memory_space<vmem_shared>> -> memref<640x128xf32, #tpu.memory_space<vmem_shared>>
      %dma_wait3A_21 = arith.constant 0 : i32
      %dma_wait3A_22 = tpu.memref_slice %arg6[%mul3A_2, %dma_wait3A_21] : memref<10240x128xf32, #tpu.memory_space<hbm>> -> memref<640x128xf32, #tpu.memory_space<hbm>>
      tpu.wait_dma2 semaphore(%run_scoped3A : memref<!tpu.dma_semaphore, #tpu.memory_space<semaphore_mem>>) src(%dma_wait3A_22 : memref<640x128xf32, #tpu.memory_space<hbm>>) dst(%dma_wait3A_20 : memref<640x128xf32, #tpu.memory_space<vmem_shared>>)
      tpu.yield
    }) : () -> ()
    %barrier3A = arith.constant 0 : index
    tpu.barrier barrier_id(%barrier3A)
    %mul3A_5 = arith.constant 80 : i32
    %mul3A_6 = arith.muli %add3A, %mul3A_5 : i32
    %scan3A = arith.constant 0 : i32
    %scan3A_7 = arith.constant 0 : i32
    %scan3A_8 = arith.constant 5 : i32
    %scan3A_9 = arith.addi %scan3A_7, %scan3A_8 : i32
    %scan3A_10 = arith.constant 1 : i32
    scf.for %scan3A_17 = %scan3A_7 to %scan3A_9 step %scan3A_10  : i32 {
      %mul3A_18 = arith.constant 16 : i32
      %mul3A_19 = arith.muli %scan3A_17, %mul3A_18 : i32
      %add3A_20 = arith.addi %mul3A_6, %mul3A_19 : i32
      "tpu.region"() ({
        %run_scoped3A = tpu.sem_alloc : memref<!tpu.dma_semaphore, #tpu.memory_space<semaphore_mem>>
        %dma_start3A = arith.constant 0 : i32
        %dma_start3A_27 = tpu.memref_slice %arg4[%add3A_20, %dma_start3A] : memref<2560x128xi32, #tpu.memory_space<hbm>> -> memref<16x128xi32, #tpu.memory_space<hbm>>
        %dma_start3A_28 = arith.constant 0 : i32
        %dma_start3A_29 = tpu.memref_slice %arg4[%add3A_20, %dma_start3A_28] : memref<2560x128xi32, #tpu.memory_space<hbm>> -> memref<16x128xi32, #tpu.memory_space<hbm>>
        tpu.enqueue_dma source(%dma_start3A_29 : memref<16x128xi32, #tpu.memory_space<hbm>>) target(%arg8 : memref<16x128xi32, #tpu.memory_space<vmem>>) target_semaphore(%run_scoped3A : memref<!tpu.dma_semaphore, #tpu.memory_space<semaphore_mem>>)
        %dma_wait3A = arith.constant 0 : i32
        %dma_wait3A_30 = tpu.memref_slice %arg4[%add3A_20, %dma_wait3A] : memref<2560x128xi32, #tpu.memory_space<hbm>> -> memref<16x128xi32, #tpu.memory_space<hbm>>
        %dma_wait3A_31 = arith.constant 0 : i32
        %dma_wait3A_32 = tpu.memref_slice %arg4[%add3A_20, %dma_wait3A_31] : memref<2560x128xi32, #tpu.memory_space<hbm>> -> memref<16x128xi32, #tpu.memory_space<hbm>>
        tpu.wait_dma2 semaphore(%run_scoped3A : memref<!tpu.dma_semaphore, #tpu.memory_space<semaphore_mem>>) src(%dma_wait3A_32 : memref<16x128xi32, #tpu.memory_space<hbm>>) dst(%arg8 : memref<16x128xi32, #tpu.memory_space<vmem>>)
        tpu.yield
      }) : () -> ()
      "tpu.region"() ({
        %run_scoped3A = tpu.sem_alloc : memref<!tpu.dma_semaphore, #tpu.memory_space<semaphore_mem>>
        %dma_start3A = arith.constant 0 : i32
        %dma_start3A_27 = tpu.memref_slice %arg5[%add3A_20, %dma_start3A] : memref<2560x128xi32, #tpu.memory_space<hbm>> -> memref<16x128xi32, #tpu.memory_space<hbm>>
        %dma_start3A_28 = arith.constant 0 : i32
        %dma_start3A_29 = tpu.memref_slice %arg5[%add3A_20, %dma_start3A_28] : memref<2560x128xi32, #tpu.memory_space<hbm>> -> memref<16x128xi32, #tpu.memory_space<hbm>>
        tpu.enqueue_dma source(%dma_start3A_29 : memref<16x128xi32, #tpu.memory_space<hbm>>) target(%arg9 : memref<16x128xi32, #tpu.memory_space<vmem>>) target_semaphore(%run_scoped3A : memref<!tpu.dma_semaphore, #tpu.memory_space<semaphore_mem>>)
        %dma_wait3A = arith.constant 0 : i32
        %dma_wait3A_30 = tpu.memref_slice %arg5[%add3A_20, %dma_wait3A] : memref<2560x128xi32, #tpu.memory_space<hbm>> -> memref<16x128xi32, #tpu.memory_space<hbm>>
        %dma_wait3A_31 = arith.constant 0 : i32
        %dma_wait3A_32 = tpu.memref_slice %arg5[%add3A_20, %dma_wait3A_31] : memref<2560x128xi32, #tpu.memory_space<hbm>> -> memref<16x128xi32, #tpu.memory_space<hbm>>
        tpu.wait_dma2 semaphore(%run_scoped3A : memref<!tpu.dma_semaphore, #tpu.memory_space<semaphore_mem>>) src(%dma_wait3A_32 : memref<16x128xi32, #tpu.memory_space<hbm>>) dst(%arg9 : memref<16x128xi32, #tpu.memory_space<vmem>>)
        tpu.yield
      }) : () -> ()
      %scan3A_21 = arith.constant 0 : i32
      %scan3A_22 = arith.constant 0 : i32
      %scan3A_23 = arith.constant 16 : i32
      %scan3A_24 = arith.addi %scan3A_22, %scan3A_23 : i32
      %scan3A_25 = arith.constant 1 : i32
      scf.for %scan3A_27 = %scan3A_22 to %scan3A_24 step %scan3A_25  : i32 {
        %dma_start3A = arith.constant 0 : i32
        %dma_start3A_28 = tpu.memref_slice %arg8[%scan3A_27, %dma_start3A] : memref<16x128xi32, #tpu.memory_space<vmem>> -> memref<1x128xi32, #tpu.memory_space<vmem>>
        %dma_start3A_29 = tpu.memref_squeeze %dma_start3A_28 : memref<1x128xi32, #tpu.memory_space<vmem>> -> memref<128xi32, #tpu.memory_space<vmem>>
        %dma_start3A_30 = arith.constant 0 : i32
        %dma_start3A_31 = arith.constant 0 : i32
        %dma_start3A_32 = tpu.memref_slice %arg2[%dma_start3A_30, %dma_start3A_31] : memref<10000x128xf32, #tpu.memory_space<hbm>> -> memref<10000x128xf32, #tpu.memory_space<hbm>>
        tpu.enqueue_indirect_dma source(%dma_start3A_32 : memref<10000x128xf32, #tpu.memory_space<hbm>>) target(%arg10 : memref<128x128xf32, #tpu.memory_space<vmem>>) offsets(%dma_start3A_29 : memref<128xi32, #tpu.memory_space<vmem>>) semaphore(%arg13 : memref<!tpu.dma_semaphore, #tpu.memory_space<semaphore_mem>>)
        %dma_wait3A = arith.constant 0 : i32
        %dma_wait3A_33 = tpu.memref_slice %arg8[%scan3A_27, %dma_wait3A] : memref<16x128xi32, #tpu.memory_space<vmem>> -> memref<1x128xi32, #tpu.memory_space<vmem>>
        %dma_wait3A_34 = tpu.memref_squeeze %dma_wait3A_33 : memref<1x128xi32, #tpu.memory_space<vmem>> -> memref<128xi32, #tpu.memory_space<vmem>>
        %dma_wait3A_35 = arith.constant 0 : i32
        %dma_wait3A_36 = arith.constant 0 : i32
        %dma_wait3A_37 = tpu.memref_slice %arg2[%dma_wait3A_35, %dma_wait3A_36] : memref<10000x128xf32, #tpu.memory_space<hbm>> -> memref<10000x128xf32, #tpu.memory_space<hbm>>
        tpu.wait_indirect_dma semaphore(%arg13 : memref<!tpu.dma_semaphore, #tpu.memory_space<semaphore_mem>>) src(%dma_wait3A_37 : memref<10000x128xf32, #tpu.memory_space<hbm>>) dst(%arg10 : memref<128x128xf32, #tpu.memory_space<vmem>>)
        %add3A_38 = arith.addi %add3A_20, %scan3A_27 : i32
        %mul3A_39 = arith.constant 128 : i32
        %mul3A_40 = arith.muli %add3A_38, %mul3A_39 : i32
        "tpu.region"() ({
          %run_scoped3A = tpu.sem_alloc : memref<!tpu.dma_semaphore, #tpu.memory_space<semaphore_mem>>
          %dma_start3A_47 = arith.constant 0 : i32
          %dma_start3A_48 = tpu.memref_slice %arg3[%mul3A_40, %dma_start3A_47] : memref<327680x128xf32, #tpu.memory_space<hbm>> -> memref<128x128xf32, #tpu.memory_space<hbm>>
          %dma_start3A_49 = arith.constant 0 : i32
          %dma_start3A_50 = tpu.memref_slice %arg3[%mul3A_40, %dma_start3A_49] : memref<327680x128xf32, #tpu.memory_space<hbm>> -> memref<128x128xf32, #tpu.memory_space<hbm>>
          tpu.enqueue_dma source(%dma_start3A_50 : memref<128x128xf32, #tpu.memory_space<hbm>>) target(%arg11 : memref<128x128xf32, #tpu.memory_space<vmem>>) target_semaphore(%run_scoped3A : memref<!tpu.dma_semaphore, #tpu.memory_space<semaphore_mem>>)
          %dma_wait3A_51 = arith.constant 0 : i32
          %dma_wait3A_52 = tpu.memref_slice %arg3[%mul3A_40, %dma_wait3A_51] : memref<327680x128xf32, #tpu.memory_space<hbm>> -> memref<128x128xf32, #tpu.memory_space<hbm>>
          %dma_wait3A_53 = arith.constant 0 : i32
          %dma_wait3A_54 = tpu.memref_slice %arg3[%mul3A_40, %dma_wait3A_53] : memref<327680x128xf32, #tpu.memory_space<hbm>> -> memref<128x128xf32, #tpu.memory_space<hbm>>
          tpu.wait_dma2 semaphore(%run_scoped3A : memref<!tpu.dma_semaphore, #tpu.memory_space<semaphore_mem>>) src(%dma_wait3A_54 : memref<128x128xf32, #tpu.memory_space<hbm>>) dst(%arg11 : memref<128x128xf32, #tpu.memory_space<vmem>>)
          tpu.yield
        }) : () -> ()
        %scan3A_41 = arith.constant 0 : i32
        %scan3A_42 = arith.constant 0 : i32
        %scan3A_43 = arith.constant 128 : i32
        %scan3A_44 = arith.addi %scan3A_42, %scan3A_43 : i32
        %scan3A_45 = arith.constant 2 : i32
        scf.for %scan3A_47 = %scan3A_42 to %scan3A_44 step %scan3A_45  : i32 {
          %get3A = arith.index_cast %scan3A_47 : i32 to index
          %get3A_48 = arith.constant 0 : index
          %get3A_49 = tpu.vector_load %arg10[%get3A, %get3A_48] {strides = array<i32>} : memref<128x128xf32, #tpu.memory_space<vmem>>, vector<1x16xf32>,
          %get3A_50 = vector.shape_cast %get3A_49 : vector<1x16xf32> to vector<16xf32>
          %get3A_51 = arith.index_cast %scan3A_47 : i32 to index
          %get3A_52 = arith.constant 0 : index
          %get3A_53 = tpu.vector_load %arg11[%get3A_51, %get3A_52] {strides = array<i32>} : memref<128x128xf32, #tpu.memory_space<vmem>>, vector<1x16xf32>,
          %get3A_54 = vector.shape_cast %get3A_53 : vector<1x16xf32> to vector<16xf32>
          %mul3A_55 = arith.mulf %get3A_50, %get3A_54 : vector<16xf32>
          %swap3A = arith.index_cast %scan3A_47 : i32 to index
          %swap3A_56 = arith.constant 0 : index
          %swap3A_57 = tpu.vector_load %arg10[%swap3A, %swap3A_56] {strides = array<i32>} : memref<128x128xf32, #tpu.memory_space<vmem>>, vector<1x16xf32>,
          %swap3A_58 = vector.shape_cast %swap3A_57 : vector<1x16xf32> to vector<16xf32>
          %swap3A_59 = vector.shape_cast %mul3A_55 : vector<16xf32> to vector<1x16xf32>
          tpu.vector_store %arg10[%swap3A, %swap3A_56], %swap3A_59 {strides = array<i32>} : memref<128x128xf32, #tpu.memory_space<vmem>>, vector<1x16xf32>,
          %get3A_60 = arith.index_cast %scan3A_47 : i32 to index
          %get3A_61 = arith.constant 16 : index
          %get3A_62 = tpu.vector_load %arg10[%get3A_60, %get3A_61] {strides = array<i32>} : memref<128x128xf32, #tpu.memory_space<vmem>>, vector<1x16xf32>,
          %get3A_63 = vector.shape_cast %get3A_62 : vector<1x16xf32> to vector<16xf32>
          %get3A_64 = arith.index_cast %scan3A_47 : i32 to index
          %get3A_65 = arith.constant 16 : index
          %get3A_66 = tpu.vector_load %arg11[%get3A_64, %get3A_65] {strides = array<i32>} : memref<128x128xf32, #tpu.memory_space<vmem>>, vector<1x16xf32>,
          %get3A_67 = vector.shape_cast %get3A_66 : vector<1x16xf32> to vector<16xf32>
          %mul3A_68 = arith.mulf %get3A_63, %get3A_67 : vector<16xf32>
          %swap3A_69 = arith.index_cast %scan3A_47 : i32 to index
          %swap3A_70 = arith.constant 16 : index
          %swap3A_71 = tpu.vector_load %arg10[%swap3A_69, %swap3A_70] {strides = array<i32>} : memref<128x128xf32, #tpu.memory_space<vmem>>, vector<1x16xf32>,
          %swap3A_72 = vector.shape_cast %swap3A_71 : vector<1x16xf32> to vector<16xf32>
          %swap3A_73 = vector.shape_cast %mul3A_68 : vector<16xf32> to vector<1x16xf32>
          tpu.vector_store %arg10[%swap3A_69, %swap3A_70], %swap3A_73 {strides = array<i32>} : memref<128x128xf32, #tpu.memory_space<vmem>>, vector<1x16xf32>,
          %get3A_74 = arith.index_cast %scan3A_47 : i32 to index
          %get3A_75 = arith.constant 32 : index
          %get3A_76 = tpu.vector_load %arg10[%get3A_74, %get3A_75] {strides = array<i32>} : memref<128x128xf32, #tpu.memory_space<vmem>>, vector<1x16xf32>,
          %get3A_77 = vector.shape_cast %get3A_76 : vector<1x16xf32> to vector<16xf32>
          %get3A_78 = arith.index_cast %scan3A_47 : i32 to index
          %get3A_79 = arith.constant 32 : index
          %get3A_80 = tpu.vector_load %arg11[%get3A_78, %get3A_79] {strides = array<i32>} : memref<128x128xf32, #tpu.memory_space<vmem>>, vector<1x16xf32>,
          %get3A_81 = vector.shape_cast %get3A_80 : vector<1x16xf32> to vector<16xf32>
          %mul3A_82 = arith.mulf %get3A_77, %get3A_81 : vector<16xf32>
          %swap3A_83 = arith.index_cast %scan3A_47 : i32 to index
          %swap3A_84 = arith.constant 32 : index
          %swap3A_85 = tpu.vector_load %arg10[%swap3A_83, %swap3A_84] {strides = array<i32>} : memref<128x128xf32, #tpu.memory_space<vmem>>, vector<1x16xf32>,
          %swap3A_86 = vector.shape_cast %swap3A_85 : vector<1x16xf32> to vector<16xf32>
          %swap3A_87 = vector.shape_cast %mul3A_82 : vector<16xf32> to vector<1x16xf32>
          tpu.vector_store %arg10[%swap3A_83, %swap3A_84], %swap3A_87 {strides = array<i32>} : memref<128x128xf32, #tpu.memory_space<vmem>>, vector<1x16xf32>,
          %get3A_88 = arith.index_cast %scan3A_47 : i32 to index
          %get3A_89 = arith.constant 48 : index
          %get3A_90 = tpu.vector_load %arg10[%get3A_88, %get3A_89] {strides = array<i32>} : memref<128x128xf32, #tpu.memory_space<vmem>>, vector<1x16xf32>,
          %get3A_91 = vector.shape_cast %get3A_90 : vector<1x16xf32> to vector<16xf32>
          %get3A_92 = arith.index_cast %scan3A_47 : i32 to index
          %get3A_93 = arith.constant 48 : index
          %get3A_94 = tpu.vector_load %arg11[%get3A_92, %get3A_93] {strides = array<i32>} : memref<128x128xf32, #tpu.memory_space<vmem>>, vector<1x16xf32>,
          %get3A_95 = vector.shape_cast %get3A_94 : vector<1x16xf32> to vector<16xf32>
          %mul3A_96 = arith.mulf %get3A_91, %get3A_95 : vector<16xf32>
          %swap3A_97 = arith.index_cast %scan3A_47 : i32 to index
          %swap3A_98 = arith.constant 48 : index
          %swap3A_99 = tpu.vector_load %arg10[%swap3A_97, %swap3A_98] {strides = array<i32>} : memref<128x128xf32, #tpu.memory_space<vmem>>, vector<1x16xf32>,
          %swap3A_100 = vector.shape_cast %swap3A_99 : vector<1x16xf32> to vector<16xf32>
          %swap3A_101 = vector.shape_cast %mul3A_96 : vector<16xf32> to vector<1x16xf32>
          tpu.vector_store %arg10[%swap3A_97, %swap3A_98], %swap3A_101 {strides = array<i32>} : memref<128x128xf32, #tpu.memory_space<vmem>>, vector<1x16xf32>,
          %get3A_102 = arith.index_cast %scan3A_47 : i32 to index
          %get3A_103 = arith.constant 64 : index
          %get3A_104 = tpu.vector_load %arg10[%get3A_102, %get3A_103] {strides = array<i32>} : memref<128x128xf32, #tpu.memory_space<vmem>>, vector<1x16xf32>,
          %get3A_105 = vector.shape_cast %get3A_104 : vector<1x16xf32> to vector<16xf32>
          %get3A_106 = arith.index_cast %scan3A_47 : i32 to index
          %get3A_107 = arith.constant 64 : index
          %get3A_108 = tpu.vector_load %arg11[%get3A_106, %get3A_107] {strides = array<i32>} : memref<128x128xf32, #tpu.memory_space<vmem>>, vector<1x16xf32>,
          %get3A_109 = vector.shape_cast %get3A_108 : vector<1x16xf32> to vector<16xf32>
          %mul3A_110 = arith.mulf %get3A_105, %get3A_109 : vector<16xf32>
          %swap3A_111 = arith.index_cast %scan3A_47 : i32 to index
          %swap3A_112 = arith.constant 64 : index
          %swap3A_113 = tpu.vector_load %arg10[%swap3A_111, %swap3A_112] {strides = array<i32>} : memref<128x128xf32, #tpu.memory_space<vmem>>, vector<1x16xf32>,
          %swap3A_114 = vector.shape_cast %swap3A_113 : vector<1x16xf32> to vector<16xf32>
          %swap3A_115 = vector.shape_cast %mul3A_110 : vector<16xf32> to vector<1x16xf32>
          tpu.vector_store %arg10[%swap3A_111, %swap3A_112], %swap3A_115 {strides = array<i32>} : memref<128x128xf32, #tpu.memory_space<vmem>>, vector<1x16xf32>,
          %get3A_116 = arith.index_cast %scan3A_47 : i32 to index
          %get3A_117 = arith.constant 80 : index
          %get3A_118 = tpu.vector_load %arg10[%get3A_116, %get3A_117] {strides = array<i32>} : memref<128x128xf32, #tpu.memory_space<vmem>>, vector<1x16xf32>,
          %get3A_119 = vector.shape_cast %get3A_118 : vector<1x16xf32> to vector<16xf32>
          %get3A_120 = arith.index_cast %scan3A_47 : i32 to index
          %get3A_121 = arith.constant 80 : index
          %get3A_122 = tpu.vector_load %arg11[%get3A_120, %get3A_121] {strides = array<i32>} : memref<128x128xf32, #tpu.memory_space<vmem>>, vector<1x16xf32>,
          %get3A_123 = vector.shape_cast %get3A_122 : vector<1x16xf32> to vector<16xf32>
          %mul3A_124 = arith.mulf %get3A_119, %get3A_123 : vector<16xf32>
          %swap3A_125 = arith.index_cast %scan3A_47 : i32 to index
          %swap3A_126 = arith.constant 80 : index
          %swap3A_127 = tpu.vector_load %arg10[%swap3A_125, %swap3A_126] {strides = array<i32>} : memref<128x128xf32, #tpu.memory_space<vmem>>, vector<1x16xf32>,
          %swap3A_128 = vector.shape_cast %swap3A_127 : vector<1x16xf32> to vector<16xf32>
          %swap3A_129 = vector.shape_cast %mul3A_124 : vector<16xf32> to vector<1x16xf32>
          tpu.vector_store %arg10[%swap3A_125, %swap3A_126], %swap3A_129 {strides = array<i32>} : memref<128x128xf32, #tpu.memory_space<vmem>>, vector<1x16xf32>,
          %get3A_130 = arith.index_cast %scan3A_47 : i32 to index
          %get3A_131 = arith.constant 96 : index
          %get3A_132 = tpu.vector_load %arg10[%get3A_130, %get3A_131] {strides = array<i32>} : memref<128x128xf32, #tpu.memory_space<vmem>>, vector<1x16xf32>,
          %get3A_133 = vector.shape_cast %get3A_132 : vector<1x16xf32> to vector<16xf32>
          %get3A_134 = arith.index_cast %scan3A_47 : i32 to index
          %get3A_135 = arith.constant 96 : index
          %get3A_136 = tpu.vector_load %arg11[%get3A_134, %get3A_135] {strides = array<i32>} : memref<128x128xf32, #tpu.memory_space<vmem>>, vector<1x16xf32>,
          %get3A_137 = vector.shape_cast %get3A_136 : vector<1x16xf32> to vector<16xf32>
          %mul3A_138 = arith.mulf %get3A_133, %get3A_137 : vector<16xf32>
          %swap3A_139 = arith.index_cast %scan3A_47 : i32 to index
          %swap3A_140 = arith.constant 96 : index
          %swap3A_141 = tpu.vector_load %arg10[%swap3A_139, %swap3A_140] {strides = array<i32>} : memref<128x128xf32, #tpu.memory_space<vmem>>, vector<1x16xf32>,
          %swap3A_142 = vector.shape_cast %swap3A_141 : vector<1x16xf32> to vector<16xf32>
          %swap3A_143 = vector.shape_cast %mul3A_138 : vector<16xf32> to vector<1x16xf32>
          tpu.vector_store %arg10[%swap3A_139, %swap3A_140], %swap3A_143 {strides = array<i32>} : memref<128x128xf32, #tpu.memory_space<vmem>>, vector<1x16xf32>,
          %get3A_144 = arith.index_cast %scan3A_47 : i32 to index
          %get3A_145 = arith.constant 112 : index
          %get3A_146 = tpu.vector_load %arg10[%get3A_144, %get3A_145] {strides = array<i32>} : memref<128x128xf32, #tpu.memory_space<vmem>>, vector<1x16xf32>,
          %get3A_147 = vector.shape_cast %get3A_146 : vector<1x16xf32> to vector<16xf32>
          %get3A_148 = arith.index_cast %scan3A_47 : i32 to index
          %get3A_149 = arith.constant 112 : index
          %get3A_150 = tpu.vector_load %arg11[%get3A_148, %get3A_149] {strides = array<i32>} : memref<128x128xf32, #tpu.memory_space<vmem>>, vector<1x16xf32>,
          %get3A_151 = vector.shape_cast %get3A_150 : vector<1x16xf32> to vector<16xf32>
          %mul3A_152 = arith.mulf %get3A_147, %get3A_151 : vector<16xf32>
          %swap3A_153 = arith.index_cast %scan3A_47 : i32 to index
          %swap3A_154 = arith.constant 112 : index
          %swap3A_155 = tpu.vector_load %arg10[%swap3A_153, %swap3A_154] {strides = array<i32>} : memref<128x128xf32, #tpu.memory_space<vmem>>, vector<1x16xf32>,
          %swap3A_156 = vector.shape_cast %swap3A_155 : vector<1x16xf32> to vector<16xf32>
          %swap3A_157 = vector.shape_cast %mul3A_152 : vector<16xf32> to vector<1x16xf32>
          tpu.vector_store %arg10[%swap3A_153, %swap3A_154], %swap3A_157 {strides = array<i32>} : memref<128x128xf32, #tpu.memory_space<vmem>>, vector<1x16xf32>,
          %scan3A_158 = arith.constant 1 : i32
          %scan3A_159 = arith.addi %scan3A_47, %scan3A_158 : i32
          %get3A_160 = arith.index_cast %scan3A_159 : i32 to index
          %get3A_161 = arith.constant 0 : index
          %get3A_162 = tpu.vector_load %arg10[%get3A_160, %get3A_161] {strides = array<i32>} : memref<128x128xf32, #tpu.memory_space<vmem>>, vector<1x16xf32>,
          %get3A_163 = vector.shape_cast %get3A_162 : vector<1x16xf32> to vector<16xf32>
          %get3A_164 = arith.index_cast %scan3A_159 : i32 to index
          %get3A_165 = arith.constant 0 : index
          %get3A_166 = tpu.vector_load %arg11[%get3A_164, %get3A_165] {strides = array<i32>} : memref<128x128xf32, #tpu.memory_space<vmem>>, vector<1x16xf32>,
          %get3A_167 = vector.shape_cast %get3A_166 : vector<1x16xf32> to vector<16xf32>
          %mul3A_168 = arith.mulf %get3A_163, %get3A_167 : vector<16xf32>
          %swap3A_169 = arith.index_cast %scan3A_159 : i32 to index
          %swap3A_170 = arith.constant 0 : index
          %swap3A_171 = tpu.vector_load %arg10[%swap3A_169, %swap3A_170] {strides = array<i32>} : memref<128x128xf32, #tpu.memory_space<vmem>>, vector<1x16xf32>,
          %swap3A_172 = vector.shape_cast %swap3A_171 : vector<1x16xf32> to vector<16xf32>
          %swap3A_173 = vector.shape_cast %mul3A_168 : vector<16xf32> to vector<1x16xf32>
          tpu.vector_store %arg10[%swap3A_169, %swap3A_170], %swap3A_173 {strides = array<i32>} : memref<128x128xf32, #tpu.memory_space<vmem>>, vector<1x16xf32>,
          %get3A_174 = arith.index_cast %scan3A_159 : i32 to index
          %get3A_175 = arith.constant 16 : index
          %get3A_176 = tpu.vector_load %arg10[%get3A_174, %get3A_175] {strides = array<i32>} : memref<128x128xf32, #tpu.memory_space<vmem>>, vector<1x16xf32>,
          %get3A_177 = vector.shape_cast %get3A_176 : vector<1x16xf32> to vector<16xf32>
          %get3A_178 = arith.index_cast %scan3A_159 : i32 to index
          %get3A_179 = arith.constant 16 : index
          %get3A_180 = tpu.vector_load %arg11[%get3A_178, %get3A_179] {strides = array<i32>} : memref<128x128xf32, #tpu.memory_space<vmem>>, vector<1x16xf32>,
          %get3A_181 = vector.shape_cast %get3A_180 : vector<1x16xf32> to vector<16xf32>
          %mul3A_182 = arith.mulf %get3A_177, %get3A_181 : vector<16xf32>
          %swap3A_183 = arith.index_cast %scan3A_159 : i32 to index
          %swap3A_184 = arith.constant 16 : index
          %swap3A_185 = tpu.vector_load %arg10[%swap3A_183, %swap3A_184] {strides = array<i32>} : memref<128x128xf32, #tpu.memory_space<vmem>>, vector<1x16xf32>,
          %swap3A_186 = vector.shape_cast %swap3A_185 : vector<1x16xf32> to vector<16xf32>
          %swap3A_187 = vector.shape_cast %mul3A_182 : vector<16xf32> to vector<1x16xf32>
          tpu.vector_store %arg10[%swap3A_183, %swap3A_184], %swap3A_187 {strides = array<i32>} : memref<128x128xf32, #tpu.memory_space<vmem>>, vector<1x16xf32>,
          %get3A_188 = arith.index_cast %scan3A_159 : i32 to index
          %get3A_189 = arith.constant 32 : index
          %get3A_190 = tpu.vector_load %arg10[%get3A_188, %get3A_189] {strides = array<i32>} : memref<128x128xf32, #tpu.memory_space<vmem>>, vector<1x16xf32>,
          %get3A_191 = vector.shape_cast %get3A_190 : vector<1x16xf32> to vector<16xf32>
          %get3A_192 = arith.index_cast %scan3A_159 : i32 to index
          %get3A_193 = arith.constant 32 : index
          %get3A_194 = tpu.vector_load %arg11[%get3A_192, %get3A_193] {strides = array<i32>} : memref<128x128xf32, #tpu.memory_space<vmem>>, vector<1x16xf32>,
          %get3A_195 = vector.shape_cast %get3A_194 : vector<1x16xf32> to vector<16xf32>
          %mul3A_196 = arith.mulf %get3A_191, %get3A_195 : vector<16xf32>
          %swap3A_197 = arith.index_cast %scan3A_159 : i32 to index
          %swap3A_198 = arith.constant 32 : index
          %swap3A_199 = tpu.vector_load %arg10[%swap3A_197, %swap3A_198] {strides = array<i32>} : memref<128x128xf32, #tpu.memory_space<vmem>>, vector<1x16xf32>,
          %swap3A_200 = vector.shape_cast %swap3A_199 : vector<1x16xf32> to vector<16xf32>
          %swap3A_201 = vector.shape_cast %mul3A_196 : vector<16xf32> to vector<1x16xf32>
          tpu.vector_store %arg10[%swap3A_197, %swap3A_198], %swap3A_201 {strides = array<i32>} : memref<128x128xf32, #tpu.memory_space<vmem>>, vector<1x16xf32>,
          %get3A_202 = arith.index_cast %scan3A_159 : i32 to index
          %get3A_203 = arith.constant 48 : index
          %get3A_204 = tpu.vector_load %arg10[%get3A_202, %get3A_203] {strides = array<i32>} : memref<128x128xf32, #tpu.memory_space<vmem>>, vector<1x16xf32>,
          %get3A_205 = vector.shape_cast %get3A_204 : vector<1x16xf32> to vector<16xf32>
          %get3A_206 = arith.index_cast %scan3A_159 : i32 to index
          %get3A_207 = arith.constant 48 : index
          %get3A_208 = tpu.vector_load %arg11[%get3A_206, %get3A_207] {strides = array<i32>} : memref<128x128xf32, #tpu.memory_space<vmem>>, vector<1x16xf32>,
          %get3A_209 = vector.shape_cast %get3A_208 : vector<1x16xf32> to vector<16xf32>
          %mul3A_210 = arith.mulf %get3A_205, %get3A_209 : vector<16xf32>
          %swap3A_211 = arith.index_cast %scan3A_159 : i32 to index
          %swap3A_212 = arith.constant 48 : index
          %swap3A_213 = tpu.vector_load %arg10[%swap3A_211, %swap3A_212] {strides = array<i32>} : memref<128x128xf32, #tpu.memory_space<vmem>>, vector<1x16xf32>,
          %swap3A_214 = vector.shape_cast %swap3A_213 : vector<1x16xf32> to vector<16xf32>
          %swap3A_215 = vector.shape_cast %mul3A_210 : vector<16xf32> to vector<1x16xf32>
          tpu.vector_store %arg10[%swap3A_211, %swap3A_212], %swap3A_215 {strides = array<i32>} : memref<128x128xf32, #tpu.memory_space<vmem>>, vector<1x16xf32>,
          %get3A_216 = arith.index_cast %scan3A_159 : i32 to index
          %get3A_217 = arith.constant 64 : index
          %get3A_218 = tpu.vector_load %arg10[%get3A_216, %get3A_217] {strides = array<i32>} : memref<128x128xf32, #tpu.memory_space<vmem>>, vector<1x16xf32>,
          %get3A_219 = vector.shape_cast %get3A_218 : vector<1x16xf32> to vector<16xf32>
          %get3A_220 = arith.index_cast %scan3A_159 : i32 to index
          %get3A_221 = arith.constant 64 : index
          %get3A_222 = tpu.vector_load %arg11[%get3A_220, %get3A_221] {strides = array<i32>} : memref<128x128xf32, #tpu.memory_space<vmem>>, vector<1x16xf32>,
          %get3A_223 = vector.shape_cast %get3A_222 : vector<1x16xf32> to vector<16xf32>
          %mul3A_224 = arith.mulf %get3A_219, %get3A_223 : vector<16xf32>
          %swap3A_225 = arith.index_cast %scan3A_159 : i32 to index
          %swap3A_226 = arith.constant 64 : index
          %swap3A_227 = tpu.vector_load %arg10[%swap3A_225, %swap3A_226] {strides = array<i32>} : memref<128x128xf32, #tpu.memory_space<vmem>>, vector<1x16xf32>,
          %swap3A_228 = vector.shape_cast %swap3A_227 : vector<1x16xf32> to vector<16xf32>
          %swap3A_229 = vector.shape_cast %mul3A_224 : vector<16xf32> to vector<1x16xf32>
          tpu.vector_store %arg10[%swap3A_225, %swap3A_226], %swap3A_229 {strides = array<i32>} : memref<128x128xf32, #tpu.memory_space<vmem>>, vector<1x16xf32>,
          %get3A_230 = arith.index_cast %scan3A_159 : i32 to index
          %get3A_231 = arith.constant 80 : index
          %get3A_232 = tpu.vector_load %arg10[%get3A_230, %get3A_231] {strides = array<i32>} : memref<128x128xf32, #tpu.memory_space<vmem>>, vector<1x16xf32>,
          %get3A_233 = vector.shape_cast %get3A_232 : vector<1x16xf32> to vector<16xf32>
          %get3A_234 = arith.index_cast %scan3A_159 : i32 to index
          %get3A_235 = arith.constant 80 : index
          %get3A_236 = tpu.vector_load %arg11[%get3A_234, %get3A_235] {strides = array<i32>} : memref<128x128xf32, #tpu.memory_space<vmem>>, vector<1x16xf32>,
          %get3A_237 = vector.shape_cast %get3A_236 : vector<1x16xf32> to vector<16xf32>
          %mul3A_238 = arith.mulf %get3A_233, %get3A_237 : vector<16xf32>
          %swap3A_239 = arith.index_cast %scan3A_159 : i32 to index
          %swap3A_240 = arith.constant 80 : index
          %swap3A_241 = tpu.vector_load %arg10[%swap3A_239, %swap3A_240] {strides = array<i32>} : memref<128x128xf32, #tpu.memory_space<vmem>>, vector<1x16xf32>,
          %swap3A_242 = vector.shape_cast %swap3A_241 : vector<1x16xf32> to vector<16xf32>
          %swap3A_243 = vector.shape_cast %mul3A_238 : vector<16xf32> to vector<1x16xf32>
          tpu.vector_store %arg10[%swap3A_239, %swap3A_240], %swap3A_243 {strides = array<i32>} : memref<128x128xf32, #tpu.memory_space<vmem>>, vector<1x16xf32>,
          %get3A_244 = arith.index_cast %scan3A_159 : i32 to index
          %get3A_245 = arith.constant 96 : index
          %get3A_246 = tpu.vector_load %arg10[%get3A_244, %get3A_245] {strides = array<i32>} : memref<128x128xf32, #tpu.memory_space<vmem>>, vector<1x16xf32>,
          %get3A_247 = vector.shape_cast %get3A_246 : vector<1x16xf32> to vector<16xf32>
          %get3A_248 = arith.index_cast %scan3A_159 : i32 to index
          %get3A_249 = arith.constant 96 : index
          %get3A_250 = tpu.vector_load %arg11[%get3A_248, %get3A_249] {strides = array<i32>} : memref<128x128xf32, #tpu.memory_space<vmem>>, vector<1x16xf32>,
          %get3A_251 = vector.shape_cast %get3A_250 : vector<1x16xf32> to vector<16xf32>
          %mul3A_252 = arith.mulf %get3A_247, %get3A_251 : vector<16xf32>
          %swap3A_253 = arith.index_cast %scan3A_159 : i32 to index
          %swap3A_254 = arith.constant 96 : index
          %swap3A_255 = tpu.vector_load %arg10[%swap3A_253, %swap3A_254] {strides = array<i32>} : memref<128x128xf32, #tpu.memory_space<vmem>>, vector<1x16xf32>,
          %swap3A_256 = vector.shape_cast %swap3A_255 : vector<1x16xf32> to vector<16xf32>
          %swap3A_257 = vector.shape_cast %mul3A_252 : vector<16xf32> to vector<1x16xf32>
          tpu.vector_store %arg10[%swap3A_253, %swap3A_254], %swap3A_257 {strides = array<i32>} : memref<128x128xf32, #tpu.memory_space<vmem>>, vector<1x16xf32>,
          %get3A_258 = arith.index_cast %scan3A_159 : i32 to index
          %get3A_259 = arith.constant 112 : index
          %get3A_260 = tpu.vector_load %arg10[%get3A_258, %get3A_259] {strides = array<i32>} : memref<128x128xf32, #tpu.memory_space<vmem>>, vector<1x16xf32>,
          %get3A_261 = vector.shape_cast %get3A_260 : vector<1x16xf32> to vector<16xf32>
          %get3A_262 = arith.index_cast %scan3A_159 : i32 to index
          %get3A_263 = arith.constant 112 : index
          %get3A_264 = tpu.vector_load %arg11[%get3A_262, %get3A_263] {strides = array<i32>} : memref<128x128xf32, #tpu.memory_space<vmem>>, vector<1x16xf32>,
          %get3A_265 = vector.shape_cast %get3A_264 : vector<1x16xf32> to vector<16xf32>
          %mul3A_266 = arith.mulf %get3A_261, %get3A_265 : vector<16xf32>
          %swap3A_267 = arith.index_cast %scan3A_159 : i32 to index
          %swap3A_268 = arith.constant 112 : index
          %swap3A_269 = tpu.vector_load %arg10[%swap3A_267, %swap3A_268] {strides = array<i32>} : memref<128x128xf32, #tpu.memory_space<vmem>>, vector<1x16xf32>,
          %swap3A_270 = vector.shape_cast %swap3A_269 : vector<1x16xf32> to vector<16xf32>
          %swap3A_271 = vector.shape_cast %mul3A_266 : vector<16xf32> to vector<1x16xf32>
          tpu.vector_store %arg10[%swap3A_267, %swap3A_268], %swap3A_271 {strides = array<i32>} : memref<128x128xf32, #tpu.memory_space<vmem>>, vector<1x16xf32>,
        }
        %scan3A_46 = arith.constant 128 : i32
        "tpu.region"() ({
          %run_scoped3A = tpu.sem_alloc : memref<!tpu.dma_semaphore, #tpu.memory_space<semaphore_mem>>
          %dma_start3A_47 = arith.constant 0 : i32
          %dma_start3A_48 = tpu.memref_slice %arg9[%scan3A_27, %dma_start3A_47] : memref<16x128xi32, #tpu.memory_space<vmem>> -> memref<1x128xi32, #tpu.memory_space<vmem>>
          %dma_start3A_49 = tpu.memref_squeeze %dma_start3A_48 : memref<1x128xi32, #tpu.memory_space<vmem>> -> memref<128xi32, #tpu.memory_space<vmem>>
          %dma_start3A_50 = arith.constant 0 : i32
          %dma_start3A_51 = arith.constant 0 : i32
          %dma_start3A_52 = tpu.memref_slice %arg12[%dma_start3A_50, %dma_start3A_51] : memref<10240x128xf32, #tpu.memory_space<vmem_shared>> -> memref<10240x128xf32, #tpu.memory_space<vmem_shared>>
          tpu.enqueue_indirect_dma source(%arg10 : memref<128x128xf32, #tpu.memory_space<vmem>>) target(%dma_start3A_52 : memref<10240x128xf32, #tpu.memory_space<vmem_shared>>) offsets(%dma_start3A_49 : memref<128xi32, #tpu.memory_space<vmem>>) semaphore(%run_scoped3A : memref<!tpu.dma_semaphore, #tpu.memory_space<semaphore_mem>>) {add = true}
          %dma_wait3A_53 = arith.constant 0 : i32
          %dma_wait3A_54 = tpu.memref_slice %arg9[%scan3A_27, %dma_wait3A_53] : memref<16x128xi32, #tpu.memory_space<vmem>> -> memref<1x128xi32, #tpu.memory_space<vmem>>
          %dma_wait3A_55 = tpu.memref_squeeze %dma_wait3A_54 : memref<1x128xi32, #tpu.memory_space<vmem>> -> memref<128xi32, #tpu.memory_space<vmem>>
          %dma_wait3A_56 = arith.constant 0 : i32
          %dma_wait3A_57 = arith.constant 0 : i32
          %dma_wait3A_58 = tpu.memref_slice %arg12[%dma_wait3A_56, %dma_wait3A_57] : memref<10240x128xf32, #tpu.memory_space<vmem_shared>> -> memref<10240x128xf32, #tpu.memory_space<vmem_shared>>
          tpu.wait_indirect_dma semaphore(%run_scoped3A : memref<!tpu.dma_semaphore, #tpu.memory_space<semaphore_mem>>) src(%arg10 : memref<128x128xf32, #tpu.memory_space<vmem>>) dst(%dma_wait3A_58 : memref<10240x128xf32, #tpu.memory_space<vmem_shared>>)
          tpu.yield
        }) : () -> ()
      }
      %scan3A_26 = arith.constant 16 : i32
    }
    %scan3A_11 = arith.constant 5 : i32
    %barrier3A_12 = arith.constant 0 : index
    tpu.barrier barrier_id(%barrier3A_12)
    %mul3A_13 = arith.constant 640 : i32
    %mul3A_14 = arith.muli %arg1, %mul3A_13 : i32
    %mul3A_15 = arith.constant 640 : i32
    %mul3A_16 = arith.muli %arg1, %mul3A_15 : i32
    "tpu.region"() ({
      %run_scoped3A = tpu.sem_alloc : memref<!tpu.dma_semaphore, #tpu.memory_space<semaphore_mem>>
      %dma_start3A = arith.constant 0 : i32
      %dma_start3A_17 = tpu.memref_slice %arg7[%arg0, %mul3A_16, %dma_start3A] : memref<2x10240x128xf32, #tpu.memory_space<hbm>> -> memref<1x640x128xf32, #tpu.memory_space<hbm>>
      %dma_start3A_18 = tpu.memref_squeeze %dma_start3A_17 : memref<1x640x128xf32, #tpu.memory_space<hbm>> -> memref<640x128xf32, #tpu.memory_space<hbm>>
      %dma_start3A_19 = arith.constant 0 : i32
      %dma_start3A_20 = tpu.memref_slice %arg12[%mul3A_14, %dma_start3A_19] : memref<10240x128xf32, #tpu.memory_space<vmem_shared>> -> memref<640x128xf32, #tpu.memory_space<vmem_shared>>
      tpu.enqueue_dma source(%dma_start3A_20 : memref<640x128xf32, #tpu.memory_space<vmem_shared>>) target(%dma_start3A_18 : memref<640x128xf32, #tpu.memory_space<hbm>>) target_semaphore(%run_scoped3A : memref<!tpu.dma_semaphore, #tpu.memory_space<semaphore_mem>>)
      %dma_wait3A = arith.constant 0 : i32
      %dma_wait3A_21 = tpu.memref_slice %arg7[%arg0, %mul3A_16, %dma_wait3A] : memref<2x10240x128xf32, #tpu.memory_space<hbm>> -> memref<1x640x128xf32, #tpu.memory_space<hbm>>
      %dma_wait3A_22 = tpu.memref_squeeze %dma_wait3A_21 : memref<1x640x128xf32, #tpu.memory_space<hbm>> -> memref<640x128xf32, #tpu.memory_space<hbm>>
      %dma_wait3A_23 = arith.constant 0 : i32
      %dma_wait3A_24 = tpu.memref_slice %arg12[%mul3A_14, %dma_wait3A_23] : memref<10240x128xf32, #tpu.memory_space<vmem_shared>> -> memref<640x128xf32, #tpu.memory_space<vmem_shared>>
      tpu.wait_dma2 semaphore(%run_scoped3A : memref<!tpu.dma_semaphore, #tpu.memory_space<semaphore_mem>>) src(%dma_wait3A_24 : memref<640x128xf32, #tpu.memory_space<vmem_shared>>) dst(%dma_wait3A_22 : memref<640x128xf32, #tpu.memory_space<hbm>>)
      tpu.yield
    }) : () -> ()
    return
  }
}

module attributes {stable_mosaic.version = 14 : i64} {
  func.func @_lin1_body(%arg0: memref<10000x128xf32, #tpu.memory_space<vmem>>, %arg1: memref<10000x1xf32, #tpu.memory_space<vmem>>, %arg2: memref<128x128xf32, #tpu.memory_space<vmem>>, %arg3: memref<10000x128xf32, #tpu.memory_space<vmem>>) attributes {dimension_semantics = [], scalar_prefetch = 0 : i64, scratch_operands = 0 : i64, tpu.core_type = #tpu.core_type<tc>} {
    %get3A = arith.constant 0 : index
    %get3A_0 = arith.constant 0 : index
    %get3A_1 = vector.load %arg0[%get3A, %get3A_0] : memref<10000x128xf32, #tpu.memory_space<vmem>>, vector<10000x128xf32>
    %get3A_2 = arith.constant 0 : index
    %get3A_3 = arith.constant 0 : index
    %get3A_4 = vector.load %arg2[%get3A_2, %get3A_3] : memref<128x128xf32, #tpu.memory_space<vmem>>, vector<128x128xf32>
    %dot_general3A = arith.constant dense<0.000000e+00> : vector<10000x128xf32>
    %dot_general3A_5 = tpu.matmul %get3A_1, %get3A_4, %dot_general3A {dimension_numbers = #tpu.dot_dimension_numbers<[1], [0], [0], [1], [0, 0, 1, 1], [], []>, transpose_lhs_hint = false} : vector<10000x128xf32>, vector<128x128xf32>, vector<10000x128xf32> -> vector<10000x128xf32>
    %get3A_6 = arith.constant 0 : index
    %get3A_7 = arith.constant 0 : index
    %get3A_8 = vector.load %arg1[%get3A_6, %get3A_7] : memref<10000x1xf32, #tpu.memory_space<vmem>>, vector<10000x1xf32>
    %mul3A = vector.broadcast %get3A_8 : vector<10000x1xf32> to vector<10000x128xf32>
    %mul3A_9 = arith.mulf %dot_general3A_5, %mul3A : vector<10000x128xf32>
    %swap3A = arith.constant 0 : index
    %swap3A_10 = arith.constant 0 : index
    %swap3A_11 = vector.load %arg3[%swap3A, %swap3A_10] : memref<10000x128xf32, #tpu.memory_space<vmem>>, vector<10000x128xf32>
    tpu.vector_store %arg3[%swap3A, %swap3A_10], %mul3A_9 {strides = array<i32>} : memref<10000x128xf32, #tpu.memory_space<vmem>>, vector<10000x128xf32>,
    return
  }
}

module attributes {stable_mosaic.version = 14 : i64} {
  func.func @_mlp_body(%arg0: i32, %arg1: memref<2048x16xf32, #tpu.memory_space<vmem>>, %arg2: memref<2048x1xf32, #tpu.memory_space<vmem>>, %arg3: memref<16x64xf32, #tpu.memory_space<vmem>>, %arg4: memref<64x64xf32, #tpu.memory_space<vmem>>, %arg5: memref<64x128xf32, #tpu.memory_space<vmem>>, %arg6: memref<2048x128xf32, #tpu.memory_space<vmem>>) attributes {dimension_semantics = [#tpu.dimension_semantics<arbitrary>], iteration_bounds = array<i64: 160>, scalar_prefetch = 0 : i64, scratch_operands = 0 : i64, tpu.core_type = #tpu.core_type<tc>, window_params = [{transform_indices = @transform_0, window_bounds = array<i64: 2048, 16>}, {transform_indices = @transform_1, window_bounds = array<i64: 2048, 1>}, {pipeline_mode = #tpu.pipeline_mode<synchronous>, transform_indices = @transform_2, window_bounds = array<i64: 16, 64>}, {pipeline_mode = #tpu.pipeline_mode<synchronous>, transform_indices = @transform_3, window_bounds = array<i64: 64, 64>}, {pipeline_mode = #tpu.pipeline_mode<synchronous>, transform_indices = @transform_4, window_bounds = array<i64: 64, 128>}, {transform_indices = @transform_5, window_bounds = array<i64: 2048, 128>}]} {
    %get3A = arith.constant 0 : index
    %get3A_0 = arith.constant 0 : index
    %get3A_1 = vector.load %arg1[%get3A, %get3A_0] : memref<2048x16xf32, #tpu.memory_space<vmem>>, vector<2048x16xf32>
    %get3A_2 = arith.constant 0 : index
    %get3A_3 = arith.constant 0 : index
    %get3A_4 = vector.load %arg3[%get3A_2, %get3A_3] : memref<16x64xf32, #tpu.memory_space<vmem>>, vector<16x64xf32>
    %dot_general3A = arith.constant dense<0.000000e+00> : vector<2048x64xf32>
    %dot_general3A_5 = tpu.matmul %get3A_1, %get3A_4, %dot_general3A {dimension_numbers = #tpu.dot_dimension_numbers<[1], [0], [0], [1], [0, 0, 1, 1], [], []>, transpose_lhs_hint = false} : vector<2048x16xf32>, vector<16x64xf32>, vector<2048x64xf32> -> vector<2048x64xf32>
    %logistic3A = arith.negf %dot_general3A_5 : vector<2048x64xf32>
    %logistic3A_6 = math.exp %logistic3A : vector<2048x64xf32>
    %logistic3A_7 = arith.constant 1.000000e+00 : f32
    %logistic3A_8 = vector.broadcast %logistic3A_7 : f32 to vector<2048x64xf32>
    %logistic3A_9 = arith.addf %logistic3A_8, %logistic3A_6 : vector<2048x64xf32>
    %logistic3A_10 = arith.divf %logistic3A_8, %logistic3A_9 : vector<2048x64xf32>
    %mul3A = arith.mulf %dot_general3A_5, %logistic3A_10 : vector<2048x64xf32>
    %mul3A_11 = arith.constant 1.67917705 : f32
    %mul3A_12 = vector.broadcast %mul3A_11 : f32 to vector<2048x64xf32>
    %mul3A_13 = arith.mulf %mul3A, %mul3A_12 : vector<2048x64xf32>
    %get3A_14 = arith.constant 0 : index
    %get3A_15 = arith.constant 0 : index
    %get3A_16 = vector.load %arg4[%get3A_14, %get3A_15] : memref<64x64xf32, #tpu.memory_space<vmem>>, vector<64x64xf32>
    %dot_general3A_17 = arith.constant dense<0.000000e+00> : vector<2048x64xf32>
    %dot_general3A_18 = tpu.matmul %mul3A_13, %get3A_16, %dot_general3A_17 {dimension_numbers = #tpu.dot_dimension_numbers<[1], [0], [0], [1], [0, 0, 1, 1], [], []>, transpose_lhs_hint = false} : vector<2048x64xf32>, vector<64x64xf32>, vector<2048x64xf32> -> vector<2048x64xf32>
    %logistic3A_19 = arith.negf %dot_general3A_18 : vector<2048x64xf32>
    %logistic3A_20 = math.exp %logistic3A_19 : vector<2048x64xf32>
    %logistic3A_21 = arith.constant 1.000000e+00 : f32
    %logistic3A_22 = vector.broadcast %logistic3A_21 : f32 to vector<2048x64xf32>
    %logistic3A_23 = arith.addf %logistic3A_22, %logistic3A_20 : vector<2048x64xf32>
    %logistic3A_24 = arith.divf %logistic3A_22, %logistic3A_23 : vector<2048x64xf32>
    %mul3A_25 = arith.mulf %dot_general3A_18, %logistic3A_24 : vector<2048x64xf32>
    %mul3A_26 = arith.constant 1.67917705 : f32
    %mul3A_27 = vector.broadcast %mul3A_26 : f32 to vector<2048x64xf32>
    %mul3A_28 = arith.mulf %mul3A_25, %mul3A_27 : vector<2048x64xf32>
    %get3A_29 = arith.constant 0 : index
    %get3A_30 = arith.constant 0 : index
    %get3A_31 = vector.load %arg5[%get3A_29, %get3A_30] : memref<64x128xf32, #tpu.memory_space<vmem>>, vector<64x128xf32>
    %dot_general3A_32 = arith.constant dense<0.000000e+00> : vector<2048x128xf32>
    %dot_general3A_33 = tpu.matmul %mul3A_28, %get3A_31, %dot_general3A_32 {dimension_numbers = #tpu.dot_dimension_numbers<[1], [0], [0], [1], [0, 0, 1, 1], [], []>, transpose_lhs_hint = false} : vector<2048x64xf32>, vector<64x128xf32>, vector<2048x128xf32> -> vector<2048x128xf32>
    %get3A_34 = arith.constant 0 : index
    %get3A_35 = arith.constant 0 : index
    %get3A_36 = vector.load %arg2[%get3A_34, %get3A_35] : memref<2048x1xf32, #tpu.memory_space<vmem>>, vector<2048x1xf32>
    %mul3A_37 = vector.broadcast %get3A_36 : vector<2048x1xf32> to vector<2048x128xf32>
    %mul3A_38 = arith.mulf %dot_general3A_33, %mul3A_37 : vector<2048x128xf32>
    %swap3A = arith.constant 0 : index
    %swap3A_39 = arith.constant 0 : index
    %swap3A_40 = vector.load %arg6[%swap3A, %swap3A_39] : memref<2048x128xf32, #tpu.memory_space<vmem>>, vector<2048x128xf32>
    tpu.vector_store %arg6[%swap3A, %swap3A_39], %mul3A_38 {strides = array<i32>} : memref<2048x128xf32, #tpu.memory_space<vmem>>, vector<2048x128xf32>,
    return
  }
  func.func @transform_0(%arg0: i32) -> (i32, i32) {
    %c0_i32 = arith.constant 0 : i32
    %c0_i32_0 = arith.constant 0 : i32
    return %arg0, %c0_i32 : i32, i32
  }
  func.func @transform_1(%arg0: i32) -> (i32, i32) {
    %c0_i32 = arith.constant 0 : i32
    %c0_i32_0 = arith.constant 0 : i32
    return %arg0, %c0_i32 : i32, i32
  }
  func.func @transform_2(%arg0: i32) -> (i32, i32) {
    %c0_i32 = arith.constant 0 : i32
    %c0_i32_0 = arith.constant 0 : i32
    %c0_i32_1 = arith.constant 0 : i32
    return %c0_i32, %c0_i32_0 : i32, i32
  }
  func.func @transform_3(%arg0: i32) -> (i32, i32) {
    %c0_i32 = arith.constant 0 : i32
    %c0_i32_0 = arith.constant 0 : i32
    %c0_i32_1 = arith.constant 0 : i32
    return %c0_i32, %c0_i32_0 : i32, i32
  }
  func.func @transform_4(%arg0: i32) -> (i32, i32) {
    %c0_i32 = arith.constant 0 : i32
    %c0_i32_0 = arith.constant 0 : i32
    %c0_i32_1 = arith.constant 0 : i32
    return %c0_i32, %c0_i32_0 : i32, i32
  }
  func.func @transform_5(%arg0: i32) -> (i32, i32) {
    %c0_i32 = arith.constant 0 : i32
    %c0_i32_0 = arith.constant 0 : i32
    return %arg0, %c0_i32 : i32, i32
  }
}

module attributes {stable_mosaic.version = 14 : i64} {
  func.func @_lin2_body(%arg0: memref<2x10240x128xf32, #tpu.memory_space<vmem>>, %arg1: memref<10000x1xf32, #tpu.memory_space<vmem>>, %arg2: memref<128x128xf32, #tpu.memory_space<vmem>>, %arg3: memref<10000x128xf32, #tpu.memory_space<vmem>>) attributes {dimension_semantics = [], scalar_prefetch = 0 : i64, scratch_operands = 0 : i64, tpu.core_type = #tpu.core_type<tc>} {
    %get3A = arith.constant 0 : index
    %get3A_0 = arith.constant 0 : index
    %get3A_1 = arith.constant 0 : index
    %get3A_2 = vector.load %arg0[%get3A, %get3A_0, %get3A_1] : memref<2x10240x128xf32, #tpu.memory_space<vmem>>, vector<1x10000x128xf32>
    %get3A_3 = vector.shape_cast %get3A_2 : vector<1x10000x128xf32> to vector<10000x128xf32>
    %get3A_4 = arith.constant 1 : index
    %get3A_5 = arith.constant 0 : index
    %get3A_6 = arith.constant 0 : index
    %get3A_7 = vector.load %arg0[%get3A_4, %get3A_5, %get3A_6] : memref<2x10240x128xf32, #tpu.memory_space<vmem>>, vector<1x10000x128xf32>
    %get3A_8 = vector.shape_cast %get3A_7 : vector<1x10000x128xf32> to vector<10000x128xf32>
    %add3A = arith.addf %get3A_3, %get3A_8 : vector<10000x128xf32>
    %get3A_9 = arith.constant 0 : index
    %get3A_10 = arith.constant 0 : index
    %get3A_11 = vector.load %arg2[%get3A_9, %get3A_10] : memref<128x128xf32, #tpu.memory_space<vmem>>, vector<128x128xf32>
    %dot_general3A = arith.constant dense<0.000000e+00> : vector<10000x128xf32>
    %dot_general3A_12 = tpu.matmul %add3A, %get3A_11, %dot_general3A {dimension_numbers = #tpu.dot_dimension_numbers<[1], [0], [0], [1], [0, 0, 1, 1], [], []>, transpose_lhs_hint = false} : vector<10000x128xf32>, vector<128x128xf32>, vector<10000x128xf32> -> vector<10000x128xf32>
    %get3A_13 = arith.constant 0 : index
    %get3A_14 = arith.constant 0 : index
    %get3A_15 = vector.load %arg1[%get3A_13, %get3A_14] : memref<10000x1xf32, #tpu.memory_space<vmem>>, vector<10000x1xf32>
    %mul3A = vector.broadcast %get3A_15 : vector<10000x1xf32> to vector<10000x128xf32>
    %mul3A_16 = arith.mulf %dot_general3A_12, %mul3A : vector<10000x128xf32>
    %swap3A = arith.constant 0 : index
    %swap3A_17 = arith.constant 0 : index
    %swap3A_18 = vector.load %arg3[%swap3A, %swap3A_17] : memref<10000x128xf32, #tpu.memory_space<vmem>>, vector<10000x128xf32>
    tpu.vector_store %arg3[%swap3A, %swap3A_17], %mul3A_16 {strides = array<i32>} : memref<10000x128xf32, #tpu.memory_space<vmem>>, vector<10000x128xf32>,
    return
  }
}

</mosaic_0001>

<sc_bundles>
// kernel: kernel.6.cloned.1.call-start
scs
__scs_entry_jumppad:
0x0: {  	(pc) =	sbr.rel $0x88, $3  }
0x1: {  	(tag) =	ssettag $0x0;
	lr =	simm.s32 $0x1  }
0x2: {  	[smem:$0x3F95] =	sst lr;
	_ =	strace $0xD0000000  }
0x3: {  	_ = 	snop  }
0x4: {  	_ = 	snop  }
0x5: {  	_ = 	snop  }
0x6: {  	_ = 	snop  }
0x7: {  	_ = 	snop  }
__scs_overlays_trampoline_lowered:
0x8: {  	[smem:$0x3FA4] =	sst s0  }
0x9: {  	[smem:$0x3FA5] =	sst s1  }
0xa: {  	[smem:$0x3FA6] =	sst s2  }
0xb: {  	[smem:$0x3FA7] =	sst s3  }
0xc: {  	[smem:$0x3FA8] =	sst s4  }
0xd: {  	[smem:$0x3FA9] =	sst s5  }
0xe: {  	[smem:$0x3FAA] =	sst s6  }
0xf: {  	[smem:$0x3FAB] =	sst s7  }
0x10: {  	[smem:$0x3FAC] =	sst s8  }
0x11: {  	[smem:$0x3FAD] =	sst s9;
	s0 =	simm.s32 @!p0 $0x0  }
0x12: {  	s1 =	sld [smem:$0x3F93];
	s0 =	simm.s32 @p0 $0x1  }
0x13: {  	[smem:$0x3FAE] =	sst s0;
	s0 =	simm.s32 @!p1 $0x0  }
0x14: {  	s2 =	sld [smem:$0x3F92];
	s0 =	simm.s32 @p1 $0x1  }
0x15: {  	[smem:$0x3FAF] =	sst s0;
	s0 =	simm.s32 @!p2 $0x0  }
0x16: {  	s3 =	sld [smem:$0x3FDB];
	s0 =	simm.s32 @p2 $0x1  }
0x17: {  	s4 =	simm.s32 $0x1BF5;
	[smem:$0x3FB1] =	sst s0  }
0x18: {  	s0 =	sld [smem:$0x3F94];
	_ =	swait.ge [sflag:s4], $0x0  }
0x19: {  	s7 =	sld [smem:$0x3F95]  }
0x1a: {  	s8 =	sadd.s32 $0xFFFFE003, lr  }
0x1b: {  	s9 =	sadd.s32 $0xFFFFFEF7, lr;
	s5 =	simm.s32 $0xFFFFFFFF;
	p2 =	slt.u32 s8, $0xFFFFF086  }
0x1c: {  	p1 =	slt.u32 s9, $0xF7A;
	s5 =	simm.s32 @!p2 $0x0  }
0x1d: {  	s5 =	simm.s32 @p1 $0x1;
	p0 =	seq.s32 s7, s2  }
0x1e: {  	s7 =	smul.u32 @!p0 $0xF7A, s2;
	p2 =	seq.s32 @!p0 s5, $0x0  }
0x1f: {  	s9 =	smul.u32 $0xF7A, s1;
	s8 =	simm.s32 @!p0 $0x1BF5;
	p2 =	por !p2, p0  }
0x20: {  	[sflag:s8] =	ssyncset.s32 @!p0 $0xFFFFF086;
	s6 =	sadd.s32 @!p0 s3, s7;
	s7 =	simm.s32 @!p0 $0x108  }
0x21: {  	s3 =	sadd.s32 s3, s9;
	s6 =	sadd.s32 @!p0 $0x88, s6;
	s7 =	simm.s32 @p2 $0x1082  }
0x22: {  	[simem:s7], [sflag:s8] =	dma.local @!p0 [hbm:s6], $0xF7A  }
0x23: {  	s9 =	sor.u32 $0xD0000000, s2;
	s6 =	simm.s32 $0x108;
	_ =	swait.ge @!p0 [sflag:s8], $0x0  }
0x24: {  	s3 =	sadd.s32 $0x88, s3;
	s6 =	simm.s32 @!p1 $0x1082;
	[sflag:s4] =	ssyncset.s32 $0xFFFFF086  }
0x25: {  	[simem:s6], [sflag:s4] =	dma.local [hbm:s3], $0xF7A  }
0x26: {  	[smem:$0x3F95] =	sst s1;
	(tag) =	ssettag s2;
	_ =	strace s9  }
0x27: {  	s1 =	sld [smem:$0x3FA5]  }
0x28: {  	s2 =	sld [smem:$0x3FA6]  }
0x29: {  	s4 =	sld [smem:$0x3FA8]  }
0x2a: {  	p0 =	seq.s32 s5, $0x0;
	s5 =	sld [smem:$0x3FA9]  }
0x2b: {  	s6 =	sld [smem:$0x3FAA]  }
0x2c: {  	s7 =	sld [smem:$0x3FAB]  }
0x2d: {  	s3 =	simm.s32 $0x108;
	s8 =	sld [smem:$0x3FAC]  }
0x2e: {  	s3 =	simm.s32 @!p0 $0x1082;
	s9 =	sld [smem:$0x3FAD]  }
0x2f: {  	lr =	sadd.s32 s0, s3;
	s0 =	sld [smem:$0x3FA4]  }
0x30: {  	s3 =	sld [smem:$0x3FA7]  }
0x31: {  	[smem:$0x3FB0] =	sst s10  }
0x32: {  	s10 =	sld [smem:$0x3FAE];
	_ =	sdelay $0x3  }
0x33: {  	p0 =	seq.s32 s10, $0x1;
	s10 =	sld [smem:$0x3FB0];
	_ =	sdelay $0x3  }
0x34: {  	[smem:$0x3FB0] =	sst s10  }
0x35: {  	s10 =	sld [smem:$0x3FAF];
	_ =	sdelay $0x3  }
0x36: {  	p1 =	seq.s32 s10, $0x1;
	s10 =	sld [smem:$0x3FB0];
	_ =	sdelay $0x3  }
0x37: {  	[smem:$0x3FB0] =	sst s10  }
0x38: {  	s10 =	sld [smem:$0x3FB1]  }
0x39: {  	_ = 	snop;
	(pc) =	sbr.ind lr, $3  }
0x3a: {  	_ = 	snop  }
0x3b: {  	_ = 	snop  }
0x3c: {  	p2 =	seq.s32 s10, $0x1;
	s10 =	sld [smem:$0x3FB0]  }
0x3d: {  	_ =	shalt  }
0x3e: {  	_ =	shalt  }
0x3f: {  	_ =	shalt  }
0x40: {  	_ =	shalt  }
0x41: {  	_ =	shalt  }
0x42: {  	_ =	shalt  }
0x43: {  	_ =	shalt  }
0x44: {  	_ =	shalt  }
0x45: {  	_ =	shalt  }
0x46: {  	_ =	shalt  }
0x47: {  	_ =	shalt  }
0x48: {  	_ =	shalt  }
0x49: {  	_ =	shalt  }
0x4a: {  	_ =	shalt  }
0x4b: {  	_ =	shalt  }
0x4c: {  	_ =	shalt  }
0x4d: {  	_ =	shalt  }
0x4e: {  	_ =	shalt  }
0x4f: {  	_ =	shalt  }
0x50: {  	_ =	shalt  }
0x51: {  	_ =	shalt  }
0x52: {  	_ =	shalt  }
0x53: {  	_ =	shalt  }
0x54: {  	_ =	shalt  }
0x55: {  	_ =	shalt  }
0x56: {  	_ =	shalt  }
0x57: {  	_ =	shalt  }
0x58: {  	_ =	shalt  }
0x59: {  	_ =	shalt  }
0x5a: {  	_ =	shalt  }
0x5b: {  	_ =	shalt  }
0x5c: {  	_ =	shalt  }
0x5d: {  	_ =	shalt  }
0x5e: {  	_ =	shalt  }
0x5f: {  	_ =	shalt  }
0x60: {  	_ =	shalt  }
0x61: {  	_ =	shalt  }
0x62: {  	_ =	shalt  }
0x63: {  	_ =	shalt  }
0x64: {  	_ =	shalt  }
0x65: {  	_ =	shalt  }
0x66: {  	_ =	shalt  }
0x67: {  	_ =	shalt  }
0x68: {  	_ =	shalt  }
0x69: {  	_ =	shalt  }
0x6a: {  	_ =	shalt  }
0x6b: {  	_ =	shalt  }
0x6c: {  	_ =	shalt  }
0x6d: {  	_ =	shalt  }
0x6e: {  	_ =	shalt  }
0x6f: {  	_ =	shalt  }
0x70: {  	_ =	shalt  }
0x71: {  	_ =	shalt  }
0x72: {  	_ =	shalt  }
0x73: {  	_ =	shalt  }
0x74: {  	_ =	shalt  }
0x75: {  	_ =	shalt  }
0x76: {  	_ =	shalt  }
0x77: {  	_ =	shalt  }
0x78: {  	_ =	shalt  }
0x79: {  	_ =	shalt  }
0x7a: {  	_ =	shalt  }
0x7b: {  	_ =	shalt  }
0x7c: {  	_ =	shalt  }
0x7d: {  	_ =	shalt  }
0x7e: {  	_ =	shalt  }
0x7f: {  	_ =	shalt  }
0x80: {  	_ =	shalt  }
0x81: {  	_ =	shalt  }
0x82: {  	_ =	shalt  }
0x83: {  	_ =	shalt  }
0x84: {  	_ =	shalt  }
0x85: {  	_ =	shalt  }
0x86: {  	_ =	shalt  }
0x87: {  	_ =	shalt  }
.Lfunc_end0:
.L_simem_size_0:
called_computation_lowered:
.L_overlay_start_0:
0x88: {  	s2 =	sld [smem:$0x3FD9]  }
0x89: {  	s3 =	sld [smem:$0x3FFE];
	_ =	sdelay $0x1  }
0x8a: {  	s1 =	srdreg.scid  }
0x8b: {  	s0 =	sand.u32 $0x1, s1  }
0x8c: {  	s17 =	sshll.u32 s0, $0xA;
	s2 =	sadd.s32 s3, s2  }
0x8d: {  	s2 =	sadd.s32 s2, s17  }
0x8e: {  	[smem:$0x3FBC] =	sst s2  }
0x8f: {  	_ = 	snop  }
0x90: {  	s2 =	sld [smem:$0x3FD0];
	(tm) =	ssettm $0x1  }
0x91: {  	s18 =	sld [smem:$0x3FFB];
	_ =	sdelay $0x3  }
0x92: {  	_ =	strace s18  }
0x93: {  	s3 =	sld [smem:$0x3FFC];
	_ =	sdelay $0x3  }
0x94: {  	_ =	strace s3  }
0x95: {  	s3 =	sld [smem:$0x3FFD];
	_ =	sdelay $0x3  }
0x96: {  	_ =	strace s3  }
0x97: {  	_ =	strace $0x8FFFFFFF  }
0x98: {  	s19 =	sld [smem:$0x3FDB];
	_ =	sdelay $0x1  }
0x99: {  	s4 =	simm.s32 $_scs_section_size  }
0x9a: {  	s5 =	simm.s32 $_size__tile_overlayer_lowered;
	s6 =	simm.s32 $_tile_overlayer_lowered  }
0x9b: {  	s22 =	simm.s32 $0x1BFF;
	s21 =	sshll.u32 s6, $0x1;
	s3 =	sadd.s32 s4, s19  }
0x9c: {  	s7 =	simm.s32 $0x0;
	s20 =	sshll.u32 s5, $0x1;
	s5 =	sadd.s32 s21, s3  }
0x9d: {  	[timem:s7], [sflag:s22] =	dma.local [hbm:s5], s20  }
0x9e: {  	_ =	swait.ge [sflag:s22], s20  }
0x9f: {  	s4 =	ssub.s32 $0x0, s20;
	[sflag:s22] =	ssyncset.done $0x0  }
0xa0: {  	[sflag:s22] =	ssyncadd.s32 s4;
	_ =	sdelay $0x1  }
0xa1: {  	s23 =	simm.s32 $0x1B8B  }
0xa2: {  	_ =	swait.ge [sflag:s23], $0x1  }
0xa3: {  	[sflag:s23] =	ssyncset.done $0x0  }
0xa4: {  	s25 =	simm.s32 $0x1B8E;
	s24 =	sld [smem:$0x3FFE];
	[sflag:s23] =	ssyncadd.s32 $0xFFFFFFFF  }
0xa5: {  	s26 =	simm.s32 $execute0_lowered;
	[smem:$0x3FD2] =	sst s25  }
0xa6: {  	s5 =	sshll.u32 s26, $0x1;
	_ =	strace $0x80000046;
	[dreg:$0x1] =	wrdreg $0xFFFFFFFF  }
0xa7: {  	s28 =	simm.s32 $_size_execute0_lowered;
	s3 =	sadd.s32 s3, s5;
	[dreg:$0x0] =	wrdreg $0x0  }
0xa8: {  	s5 =	sshll.u32 s28, $0x1;
	[dreg:$0x2] =	wrdreg s3  }
0xa9: {  	[dreg:$0x3] =	wrdreg s5  }
0xaa: {  	[dreg:$0x4] =	wrdreg $0xC0  }
0xab: {  	_ =	task [dreg:s7], $0x5FFFF  }
0xac: {  	[dreg:$0x1] =	wrdreg $0xFFFFFFFF  }
0xad: {  	[dreg:$0x0] =	wrdreg $0x60  }
0xae: {  	[dreg:$0x2] =	wrdreg s2  }
0xaf: {  	[dreg:$0x3] =	wrdreg s24  }
0xb0: {  	[dreg:$0x4] =	wrdreg $0x90000  }
0xb1: {  	[dreg:$0x5] =	wrdreg $0x9  }
0xb2: {  	_ =	task.clear_ibuf [dreg:s7], $0x6FFFF;
	_ =	strace $0x90000046  }
0xb3: {  	s29 =	simm.s32 $0x9;
	_ =	strace $0x80000048  }
0xb4: {  	_ =	swait.ge [sflag:s29], $0x1  }
0xb5: {  	[sflag:s29] =	ssyncadd.s32 $0xFFFFFFFF  }
0xb6: {  	_ =	strace $0x90000048  }
0xb7: {  	_ =	sfence  }
0xb8: {  	s30 =	sld [smem:$0x0];
	_ =	sdelay $0x2  }
0xb9: {  	s31 =	sshll.u32 s1, $0xD;
	s1 =	sshrl.u32 s1, $0x2  }
0xba: {  	s3 =	sand.u32 $0x4000, s31;
	s1 =	sadd.s32 s1, s30  }
0xbb: {  	s0 =	sor.u32 s3, s0;
	s1 =	sshll.u32 s1, $0x11  }
0xbc: {  	s0 =	sor.u32 s1, s0  }
0xbd: {  	s0 =	sadd.s32 $0x8F2B, s0  }
0xbe: {  	[sflag:s0] =	ssyncadd.remote.s32 $0x1  }
0xbf: {  	_ =	sfence.sel $0xFFFF  }
0xc0: {  	[dreg:$0x0] =	wrdreg $0xFFFFFFFF;
	(pc) =	sbr.abs _section_cstart, $3  }
0xc1: {  	[dreg:$0x1] =	wrdreg $0xFFFFFFFF  }
0xc2: {  	_ =	task.clear_ibuf [dreg:s7], $0x2FFFF;
	_ =	strace $0x9FFFFFFF  }
0xc3: {  	(tm) =	ssettm $0x7FFFFFFF  }
tec
execute0_lowered:
.L_overlay_start_1:
0x0: {  	(tag) =	ssettag $0x1  }
0x1: {  	s1 =	rddreg [dreg:$0x0]  }
0x2: {  	s8 =	rddreg [dreg:$0x1]  }
0x3: {  	s3 =	rddreg [dreg:$0x2]  }
0x4: {  	s0 =	rddreg [dreg:$0x3];
	s4 =	simm.s32 $0x0;
	s2 =	stileid.u32  }
0x5: {  	s5 =	srdreg.scid;
	s16 =	simm.s32 $0x80;
	s17 =	simm.s32 $0x1000  }
0x6: {  	s18 =	simm.s32 $0x1;
	s19 =	simm.s32 $0x5000;
	s20 =	simm.s32 $0x0  }
0x7: {  	[smem:$0x7FF] =	sst s4;
	s9 =	smul.u32 $0x14000, s2;
	s10 =	sand.u32 $0x1, s5  }
0x8: {  	s5 =	sadd.s32 $0x16000, s8;
	s6 =	sadd.s32 $0xC000, s8;
	s7 =	sadd.s32 $0x2000, s8  }
0x9: {  	s26 =	smul.u32 $0x50000, s2;
	s30 =	sshll.u32 s2, $0x1;
	s31 =	sshll.u32 s2, $0x6  }
0xa: {  	_ =	strace $0x80000047;
	s11 =	smul.u32 $0x140000, s10;
	s13 =	ssub.s32 $0x2, s10  }
0xb: {  	s10 =	sor.u32 s10, s30;
	s12 =	sshrl.u32 s9, $0x3;
	s28 =	sshrl.u32 s13, $0x1  }
0xc: {  	s29 =	sshrl.u32 s26, $0x2;
	s10 =	smul.u32 $0x50, s10;
	s9 =	sadd.s32 s9, s11  }
0xd: {  	s12 =	sadd.s32 s12, s8;
	s13 =	ssub.s32 s13, s28;
	s9 =	sshrl.u32 s9, $0x3  }
0xe: {  	s15 =	sadd.s32 s29, s3;
	s14 =	sadd.s32 s9, s8;
	s8 =	sadd.s32 $0x516000, s12  }
0xf: {  	s9 =	sor.u32 $0x1C02, s31;
	s12 =	smax.u32 s13, $0x1;
	s13 =	sshrl.u32 s15, $0x3  }
0x10: {  	s15 =	simm.s32 $0x800;
	s11 =	sadd.s32 $0x53E000, s14;
	s14 =	simm.s32 $0x2  }
.LBB2_1:
0x11: {  	[spmem:s13], [sflag:s9] =	dma.local [hbm:s8], $0x2800  }
0x12: {  	_ =	swait.ge [sflag:s14], $0x2800  }
0x13: {  	[sflag:s14] =	ssyncset.done $0x0  }
0x14: {  	[sflag:s14] =	ssyncadd.s32 $0xFFFFD800  }
0x15: {  	s21 =	simm.s32 $0x0;
	[bflag:$0x0] =	sbarrier.arrive $0xFFFF  }
.LBB2_2:
0x16: {  	s22 =	sshll.u32 s21, $0x4  }
0x17: {  	s22 =	sadd.s32 s10, s22  }
0x18: {  	s24 =	sshll.u32 s22, $0x4  }
0x19: {  	s23 =	simm.s32 $0x0;
	s25 =	sadd.s32 s6, s24  }
0x1a: {  	[tilespmem:s23], [sflag:$0x2] =	stream.linear.gather [hbm4b:s25+s23], $0x800, $0x38;
	[tilespmem:$0x1D000] =	vst v63  }
0x1b: {  	_ =	swait.ge [sflag:s14], $0x800  }
0x1c: {  	[sflag:s14] =	ssyncset.done $0x0  }
0x1d: {  	s24 =	sadd.s32 s7, s24;
	[sflag:s14] =	ssyncadd.s32 $0xFFFFF800  }
0x1e: {  	[tilespmem:s15], [sflag:$0x2] =	stream.linear.gather [hbm4b:s24+s23], $0x800, $0x38;
	[tilespmem:$0x1D000] =	vst v63  }
0x1f: {  	_ =	swait.ge [sflag:s14], $0x800  }
0x20: {  	[sflag:s14] =	ssyncset.done $0x0  }
0x21: {  	[sflag:s14] =	ssyncadd.s32 $0xFFFFF800  }
.LBB2_3:
0x22: {  	s24 =	sshll.u32 s23, $0x7  }
0x23: {  	[tilespmem:s17], [sflag:$0x1] =	stream.indirect.gather [hbm4b:s1+s16], $0x80, s24, s16, $0xb8;
	[tilespmem:$0x1D000] =	vst v63  }
0x24: {  	s25 =	sadd.s32 s22, s23;
	_ =	swait.ge [sflag:s18], $0x4000  }
0x25: {  	s25 =	sshll.u32 s25, $0xB;
	[sflag:s18] =	ssyncset.done $0x0  }
0x26: {  	s25 =	sadd.s32 s5, s25;
	[sflag:s18] =	ssyncadd.s32 $0xFFFFC000  }
0x27: {  	[tilespmem:s19], [sflag:$0x2] =	stream.linear.gather [hbm4b:s25+s4], $0x4000, $0x38;
	[tilespmem:$0x1D000] =	vst v63  }
0x28: {  	_ =	swait.ge [sflag:s14], $0x4000  }
0x29: {  	[sflag:s14] =	ssyncset.done $0x0  }
0x2a: {  	s25 =	simm.s32 $0x1080;
	[sflag:s14] =	ssyncadd.s32 $0xFFFFC000  }
0x2b: {  	s26 =	simm.s32 $0x5080;
	v0 =	vld [tilespmem:s25+$0xFFFFFF80]  }
0x2c: {  	v1 =	vld [tilespmem:s26+$0xFFFFFF80];
	_ =	sdelay $0x4  }
0x2d: {  	v0 =	vmul.f32 v1, v0;
	_ =	sdelay $0x1  }
0x2e: {  	[tilespmem:s25+$0xFFFFFF80] =	vst v0;
	v0 =	vld [tilespmem:s25+$0xFFFFFF90]  }
0x2f: {  	v1 =	vld [tilespmem:s26+$0xFFFFFF90];
	_ =	sdelay $0x4  }
0x30: {  	v0 =	vmul.f32 v1, v0;
	_ =	sdelay $0x1  }
0x31: {  	[tilespmem:s25+$0xFFFFFF90] =	vst v0;
	v0 =	vld [tilespmem:s25+$0xFFFFFFA0]  }
0x32: {  	v1 =	vld [tilespmem:s26+$0xFFFFFFA0];
	_ =	sdelay $0x4  }
0x33: {  	v0 =	vmul.f32 v1, v0;
	_ =	sdelay $0x1  }
0x34: {  	[tilespmem:s25+$0xFFFFFFA0] =	vst v0;
	v0 =	vld [tilespmem:s25+$0xFFFFFFB0]  }
0x35: {  	v1 =	vld [tilespmem:s26+$0xFFFFFFB0];
	_ =	sdelay $0x4  }
0x36: {  	v0 =	vmul.f32 v1, v0;
	_ =	sdelay $0x1  }
0x37: {  	[tilespmem:s25+$0xFFFFFFB0] =	vst v0;
	v0 =	vld [tilespmem:s25+$0xFFFFFFC0]  }
0x38: {  	v1 =	vld [tilespmem:s26+$0xFFFFFFC0];
	_ =	sdelay $0x4  }
0x39: {  	v0 =	vmul.f32 v1, v0;
	_ =	sdelay $0x1  }
0x3a: {  	[tilespmem:s25+$0xFFFFFFC0] =	vst v0;
	v0 =	vld [tilespmem:s25+$0xFFFFFFD0]  }
0x3b: {  	v1 =	vld [tilespmem:s26+$0xFFFFFFD0];
	_ =	sdelay $0x4  }
0x3c: {  	v0 =	vmul.f32 v1, v0;
	_ =	sdelay $0x1  }
0x3d: {  	[tilespmem:s25+$0xFFFFFFD0] =	vst v0;
	v0 =	vld [tilespmem:s25+$0xFFFFFFE0]  }
0x3e: {  	v1 =	vld [tilespmem:s26+$0xFFFFFFE0];
	_ =	sdelay $0x4  }
0x3f: {  	v0 =	vmul.f32 v1, v0;
	_ =	sdelay $0x1  }
0x40: {  	[tilespmem:s25+$0xFFFFFFE0] =	vst v0;
	v0 =	vld [tilespmem:s25+$0xFFFFFFF0]  }
0x41: {  	v1 =	vld [tilespmem:s26+$0xFFFFFFF0];
	_ =	sdelay $0x4  }
0x42: {  	v0 =	vmul.f32 v1, v0;
	_ =	sdelay $0x1  }
0x43: {  	[tilespmem:s25+$0xFFFFFFF0] =	vst v0;
	v0 =	vld [tilespmem:s25+$0x0]  }
0x44: {  	v1 =	vld [tilespmem:s26+$0x0];
	_ =	sdelay $0x4  }
0x45: {  	v0 =	vmul.f32 v1, v0;
	_ =	sdelay $0x1  }
0x46: {  	[tilespmem:s25+$0x0] =	vst v0;
	v0 =	vld [tilespmem:s25+$0x10]  }
0x47: {  	v1 =	vld [tilespmem:s26+$0x10];
	_ =	sdelay $0x4  }
0x48: {  	v0 =	vmul.f32 v1, v0;
	_ =	sdelay $0x1  }
0x49: {  	[tilespmem:s25+$0x10] =	vst v0;
	v0 =	vld [tilespmem:s25+$0x20]  }
0x4a: {  	v1 =	vld [tilespmem:s26+$0x20];
	_ =	sdelay $0x4  }
0x4b: {  	v0 =	vmul.f32 v1, v0;
	_ =	sdelay $0x1  }
0x4c: {  	[tilespmem:s25+$0x20] =	vst v0;
	v0 =	vld [tilespmem:s25+$0x30]  }
0x4d: {  	v1 =	vld [tilespmem:s26+$0x30];
	_ =	sdelay $0x4  }
0x4e: {  	v0 =	vmul.f32 v1, v0;
	_ =	sdelay $0x1  }
0x4f: {  	[tilespmem:s25+$0x30] =	vst v0;
	v0 =	vld [tilespmem:s25+$0x40]  }
0x50: {  	v1 =	vld [tilespmem:s26+$0x40];
	_ =	sdelay $0x4  }
0x51: {  	v0 =	vmul.f32 v1, v0;
	_ =	sdelay $0x1  }
0x52: {  	[tilespmem:s25+$0x40] =	vst v0;
	v0 =	vld [tilespmem:s25+$0x50]  }
0x53: {  	v1 =	vld [tilespmem:s26+$0x50];
	_ =	sdelay $0x4  }
0x54: {  	v0 =	vmul.f32 v1, v0;
	_ =	sdelay $0x1  }
0x55: {  	[tilespmem:s25+$0x50] =	vst v0;
	v0 =	vld [tilespmem:s25+$0x60]  }
0x56: {  	v1 =	vld [tilespmem:s26+$0x60];
	_ =	sdelay $0x4  }
0x57: {  	v0 =	vmul.f32 v1, v0;
	_ =	sdelay $0x1  }
0x58: {  	[tilespmem:s25+$0x60] =	vst v0;
	v0 =	vld [tilespmem:s25+$0x70]  }
0x59: {  	v1 =	vld [tilespmem:s26+$0x70];
	_ =	sdelay $0x4  }
0x5a: {  	v0 =	vmul.f32 v1, v0  }
0x5b: {  	s28 =	simm.s32 $0x0;
	s29 =	simm.s32 $0x1180  }
.LBB2_4:
0x5c: {  	v1 =	vld [tilespmem:s29+$0xFFFFFF80];
	[tilespmem:s25+$0x70] =	vst v0;
	s26 =	sadd.s32 $0x100, s26;
	s25 =	smov.u32 s29  }
0x5d: {  	s28 =	sadd.s32 $0x2, s28;
	v0 =	vld [tilespmem:s26+$0xFFFFFF80]  }
0x5e: {  	p0 =	slt.u32 s28, $0x7E;
	_ =	sdelay $0x3  }
0x5f: {  	v0 =	vmul.f32 v0, v1;
	_ =	sdelay $0x1  }
0x60: {  	[tilespmem:s29+$0xFFFFFF80] =	vst v0;
	v0 =	vld [tilespmem:s29+$0xFFFFFF90]  }
0x61: {  	v1 =	vld [tilespmem:s26+$0xFFFFFF90];
	_ =	sdelay $0x4  }
0x62: {  	v0 =	vmul.f32 v1, v0;
	_ =	sdelay $0x1  }
0x63: {  	[tilespmem:s29+$0xFFFFFF90] =	vst v0;
	v0 =	vld [tilespmem:s29+$0xFFFFFFA0]  }
0x64: {  	v1 =	vld [tilespmem:s26+$0xFFFFFFA0];
	_ =	sdelay $0x4  }
0x65: {  	v0 =	vmul.f32 v1, v0;
	_ =	sdelay $0x1  }
0x66: {  	[tilespmem:s29+$0xFFFFFFA0] =	vst v0;
	v0 =	vld [tilespmem:s29+$0xFFFFFFB0]  }
0x67: {  	v1 =	vld [tilespmem:s26+$0xFFFFFFB0];
	_ =	sdelay $0x4  }
0x68: {  	v0 =	vmul.f32 v1, v0;
	_ =	sdelay $0x1  }
0x69: {  	[tilespmem:s29+$0xFFFFFFB0] =	vst v0;
	v0 =	vld [tilespmem:s29+$0xFFFFFFC0]  }
0x6a: {  	v1 =	vld [tilespmem:s26+$0xFFFFFFC0];
	_ =	sdelay $0x4  }
0x6b: {  	v0 =	vmul.f32 v1, v0;
	_ =	sdelay $0x1  }
0x6c: {  	[tilespmem:s29+$0xFFFFFFC0] =	vst v0;
	v0 =	vld [tilespmem:s29+$0xFFFFFFD0]  }
0x6d: {  	v1 =	vld [tilespmem:s26+$0xFFFFFFD0];
	_ =	sdelay $0x4  }
0x6e: {  	v0 =	vmul.f32 v1, v0;
	_ =	sdelay $0x1  }
0x6f: {  	[tilespmem:s29+$0xFFFFFFD0] =	vst v0;
	v0 =	vld [tilespmem:s29+$0xFFFFFFE0]  }
0x70: {  	v1 =	vld [tilespmem:s26+$0xFFFFFFE0];
	_ =	sdelay $0x4  }
0x71: {  	v0 =	vmul.f32 v1, v0;
	_ =	sdelay $0x1  }
0x72: {  	[tilespmem:s29+$0xFFFFFFE0] =	vst v0;
	v0 =	vld [tilespmem:s29+$0xFFFFFFF0]  }
0x73: {  	v1 =	vld [tilespmem:s26+$0xFFFFFFF0];
	_ =	sdelay $0x4  }
0x74: {  	v0 =	vmul.f32 v1, v0;
	_ =	sdelay $0x1  }
0x75: {  	[tilespmem:s29+$0xFFFFFFF0] =	vst v0;
	v0 =	vld [tilespmem:s29+$0x0]  }
0x76: {  	v1 =	vld [tilespmem:s26+$0x0];
	_ =	sdelay $0x4  }
0x77: {  	v0 =	vmul.f32 v1, v0;
	_ =	sdelay $0x1  }
0x78: {  	[tilespmem:s29+$0x0] =	vst v0;
	v0 =	vld [tilespmem:s29+$0x10]  }
0x79: {  	v1 =	vld [tilespmem:s26+$0x10];
	_ =	sdelay $0x4  }
0x7a: {  	v0 =	vmul.f32 v1, v0;
	_ =	sdelay $0x1  }
0x7b: {  	[tilespmem:s29+$0x10] =	vst v0;
	v0 =	vld [tilespmem:s29+$0x20]  }
0x7c: {  	v1 =	vld [tilespmem:s26+$0x20];
	_ =	sdelay $0x4  }
0x7d: {  	v0 =	vmul.f32 v1, v0;
	_ =	sdelay $0x1  }
0x7e: {  	[tilespmem:s29+$0x20] =	vst v0;
	v0 =	vld [tilespmem:s29+$0x30]  }
0x7f: {  	v1 =	vld [tilespmem:s26+$0x30];
	_ =	sdelay $0x4  }
0x80: {  	v0 =	vmul.f32 v1, v0;
	_ =	sdelay $0x1  }
0x81: {  	[tilespmem:s29+$0x30] =	vst v0;
	v0 =	vld [tilespmem:s29+$0x40]  }
0x82: {  	v1 =	vld [tilespmem:s26+$0x40];
	_ =	sdelay $0x4  }
0x83: {  	v0 =	vmul.f32 v1, v0;
	_ =	sdelay $0x1  }
0x84: {  	[tilespmem:s29+$0x40] =	vst v0;
	v0 =	vld [tilespmem:s29+$0x50]  }
0x85: {  	v1 =	vld [tilespmem:s26+$0x50];
	_ =	sdelay $0x4  }
0x86: {  	v0 =	vmul.f32 v1, v0;
	_ =	sdelay $0x1  }
0x87: {  	[tilespmem:s29+$0x50] =	vst v0;
	v0 =	vld [tilespmem:s29+$0x60]  }
0x88: {  	v1 =	vld [tilespmem:s26+$0x60];
	_ =	sdelay $0x4  }
0x89: {  	v0 =	vmul.f32 v1, v0;
	_ =	sdelay $0x1  }
0x8a: {  	[tilespmem:s29+$0x60] =	vst v0;
	v0 =	vld [tilespmem:s29+$0x70]  }
0x8b: {  	v1 =	vld [tilespmem:s26+$0x70];
	_ =	sdelay $0x1  }
.Ltmp0:
0x8c: {  	(pc) =	sbr.rel @p0 .LBB2_4-.Ltmp0, $3  }
0x8d: {  	_ =	sdelay $0x1  }
0x8e: {  	v0 =	vmul.f32 v1, v0  }
0x8f: {  	s29 =	sadd.s32 $0x100, s29  }
0x90: {  	s23 =	sadd.s32 $0x1, s23  }
0x91: {  	p0 =	sne.s32 s23, $0x10  }
.Ltmp1:
0x92: {  	[tilespmem:s25+$0x70] =	vst v0;
	s24 =	sadd.s32 $0x800, s24;
	(pc) =	sbr.rel @p0 .LBB2_3-.Ltmp1, $4  }
0x93: {  	[spmem:s3] =	stream.indirect.scatter.add.f32 [tilespmem:s17], [sflag:$0x2], $0x80, s24, s16, $0xb8;
	[tilespmem:$0x1D000] =	vst v63  }
0x94: {  	_ =	swait.ge [sflag:s14], $0x4000  }
0x95: {  	[sflag:s14] =	ssyncset.done $0x0  }
0x96: {  	[sflag:s14] =	ssyncadd.s32 $0xFFFFC000  }
0x97: {  	s21 =	sadd.s32 $0x1, s21  }
0x98: {  	p0 =	sne.s32 s21, $0x5  }
.Ltmp2:
0x99: {  	_ = 	snop;
	(pc) =	sbr.rel @p0 .LBB2_2-.Ltmp2, $1  }
0x9a: {  	_ =	sdelay $0x3  }
0x9b: {  	s20 =	sadd.s32 $0x1, s20  }
0x9c: {  	p0 =	sne.s32 s20, s12  }
.Ltmp3:
0x9d: {  	[bflag:$0x0] =	sbarrier.arrive $0xFFFF;
	(pc) =	sbr.rel @p0 .LBB2_1-.Ltmp3, $4  }
0x9e: {  	[hbm:s11], [sflag:s9] =	dma.local [spmem:s13], $0x2800  }
0x9f: {  	_ =	swait.ge [sflag:s14], $0x2800  }
0xa0: {  	[sflag:s14] =	ssyncset.done $0x0  }
0xa1: {  	[sflag:s14] =	ssyncadd.s32 $0xFFFFD800  }
0xa2: {  	_ =	sfence.sel $0x180000  }
0xa3: {  	[bflag:$0x0] =	sbarrier.arrive $0xFFFF  }
0xa4: {  	p0 =	sne.s32 s2, $0x0;
	_ =	strace $0x90000047  }
0xa5: {  	s0 =	sadd.s32 @!p0 $0x100000, s0;
	[bflag:$0x2] =	sbarrier.arrive $0xFFFF  }
0xa6: {  	[sflag:s0] =	ssyncadd.tile.s32 @!p0 $0x1;
	_ =	shalt  }
.Lfunc_end2:
_tile_overlayer_lowered:
.L_overlay_start_2:
0xa7: {  	(tag) =	ssettag $0x2  }
0xa8: {  	s0 =	rddreg [dreg:$0x0];
	s2 =	stileid.u32  }
0xa9: {  	s1 =	rddreg [dreg:$0x1];
	p0 =	sne.s32 s2, $0x0  }
0xaa: {  	s3 =	rddreg [dreg:$0x2];
	[bflag:$0x3] =	sbarrier.arrive $0xFFFF;
	s2 =	simm.s32 @!p0 $0x1C02  }
0xab: {  	[timem:s3], [sflag:s2] =	dma.local @!p0 [hbm:s0], s1  }
0xac: {  	s0 =	simm.s32 @!p0 $0x2  }
0xad: {  	_ =	swait.ge @!p0 [sflag:s0], s1  }
0xae: {  	s1 =	ssub.s32 @!p0 $0x0, s1;
	[sflag:s0] =	ssyncset.done @!p0 $0x0  }
0xaf: {  	[sflag:s0] =	ssyncadd.s32 @!p0 s1  }
0xb0: {  	[bflag:$0x3] =	sbarrier.arrive $0xFFFF  }
0xb1: {  	_ =	shalt  }

</sc_bundles>
